<compile_context>
chip_gen: v7x
topology: tpu7x:2x2x1
jax: 0.10.2.dev20260603
libtpu: 0.0.44.dev20260713+nightly
codegen_flags: <defaults>
</compile_context>

<pallas_src>
import jax
import jax.numpy as jnp
from jax import lax
from jax.experimental import pallas as pl
from jax.experimental.pallas import tpu as pltpu
from jax.experimental.pallas import tpu_sc as plsc

N = 10000
E = 320000
D = 128
HID = 64

NC = 2
NS = 16
FPT = HID // NS
EHALF = E // NC
CHUNK = 6400
NCHUNK = EHALF // CHUNK
VPC = CHUNK // 16


def _proj_body(h_ref, w1t_ref, w1b_ref, b1_ref, p_ref, q_ref):
    hb = h_ref[...]
    p_ref[...] = (
        jnp.dot(hb, w1t_ref[...], preferred_element_type=jnp.float32)
        + b1_ref[...]
    )
    q_ref[...] = jnp.dot(hb, w1b_ref[...], preferred_element_type=jnp.float32)


def _finish_body(part_ref, b2_ref, out_ref):
    z = jnp.sum(part_ref[...], axis=0) + b2_ref[0, 0]
    out_ref[...] = jax.nn.sigmoid(z)


def _sc_body(tbl_hbm, src_hbm, dst_hbm, w2_hbm, part_hbm,
             tbl, sidx_a, didx_a, sidx_b, didx_b, part_a, part_b, w2v,
             sem_a, sem_b, psem_a, psem_b):
    c = lax.axis_index("c")
    s = lax.axis_index("s")

    pltpu.sync_copy(tbl_hbm.at[s], tbl)
    pltpu.sync_copy(w2_hbm, w2v)

    w2s = [
        plsc.load_gather(w2v, [jnp.full((16,), s * FPT + j, jnp.int32)])
        for j in range(FPT)
    ]
    w2d = [2.0 * w for w in w2s]
    ksum = w2s[0] + w2s[1] + w2s[2] + w2s[3]

    base = c * EHALF

    def start_fetch(off, si, di, sem):
        pltpu.async_copy(src_hbm.at[pl.ds(off, CHUNK)], si, sem)
        pltpu.async_copy(dst_hbm.at[pl.ds(off, CHUNK)], di, sem)

    def wait_fetch(off, si, di, sem):
        pltpu.make_async_copy(src_hbm.at[pl.ds(off, CHUNK)], si, sem).wait()
        pltpu.make_async_copy(dst_hbm.at[pl.ds(off, CHUNK)], di, sem).wait()

    def compute_chunk(off, si, di, pt, psem):
        @plsc.parallel_loop(0, VPC, unroll=8)
        def vec_body(v):
            o = v * 16
            sv = si[pl.ds(o, 16)] * (2 * FPT)
            dv = di[pl.ds(o, 16)] * (2 * FPT)
            acc = ksum
            for j in range(FPT):
                p = plsc.load_gather(tbl, [sv + j])
                q = plsc.load_gather(tbl, [dv + (FPT + j)])
                d = jnp.exp(p + q) + 1.0
                acc = acc - w2d[j] / d
            pt[pl.ds(o, 16)] = acc

        pltpu.async_copy(pt, part_hbm.at[s, pl.ds(off, CHUNK)], psem)

    def wait_store(off, pt, psem):
        pltpu.make_async_copy(
            pt, part_hbm.at[s, pl.ds(off, CHUNK)], psem).wait()

    start_fetch(base, sidx_a, didx_a, sem_a)

    def pair_body(i, _):
        off_a = base + (2 * i) * CHUNK
        off_b = off_a + CHUNK
        start_fetch(off_b, sidx_b, didx_b, sem_b)
        wait_fetch(off_a, sidx_a, didx_a, sem_a)
        @pl.when(i > 0)
        def _():
            wait_store(off_a - 2 * CHUNK, part_a, psem_a)
        compute_chunk(off_a, sidx_a, didx_a, part_a, psem_a)
        start_fetch(off_a + 2 * CHUNK, sidx_a, didx_a, sem_a)
        wait_fetch(off_b, sidx_b, didx_b, sem_b)

        @pl.when(i > 0)
        def _():
            wait_store(off_b - 2 * CHUNK, part_b, psem_b)
        compute_chunk(off_b, sidx_b, didx_b, part_b, psem_b)
        return 0

    npair = (NCHUNK - 1) // 2
    lax.fori_loop(0, npair, pair_body, 0)

    last = base + (NCHUNK - 1) * CHUNK
    wait_fetch(last, sidx_a, didx_a, sem_a)
    wait_store(last - 2 * CHUNK, part_a, psem_a)
    compute_chunk(last, sidx_a, didx_a, part_a, psem_a)
    wait_store(last - CHUNK, part_b, psem_b)
    wait_store(last, part_a, psem_a)


def kernel(h, edge_index, W1, b1, W2, b2):
    p, q = pl.pallas_call(
        _proj_body,
        out_shape=[
            jax.ShapeDtypeStruct((N, HID), jnp.float32),
            jax.ShapeDtypeStruct((N, HID), jnp.float32),
        ],
    )(h, W1[:D], W1[D:], b1.reshape(1, HID))

    pr = (2.0 * p).reshape(N, NS, FPT).transpose(1, 0, 2)
    qr = (2.0 * q).reshape(N, NS, FPT).transpose(1, 0, 2)
    tbl = jnp.concatenate([pr, qr], axis=2).reshape(NS, N * 2 * FPT)

    src = edge_index[0]
    dst = edge_index[1]
    w2 = jnp.pad(W2.reshape(HID), (0, 64))

    mesh = plsc.VectorSubcoreMesh(core_axis_name="c", subcore_axis_name="s")
    sc = pl.kernel(
        _sc_body,
        out_type=jax.ShapeDtypeStruct((NS, E), jnp.float32),
        mesh=mesh,
        compiler_params=pltpu.CompilerParams(needs_layout_passes=False),
        scratch_types=[
            pltpu.VMEM((N * 2 * FPT,), jnp.float32),
            pltpu.VMEM((CHUNK,), jnp.int32),
            pltpu.VMEM((CHUNK,), jnp.int32),
            pltpu.VMEM((CHUNK,), jnp.int32),
            pltpu.VMEM((CHUNK,), jnp.int32),
            pltpu.VMEM((CHUNK,), jnp.float32),
            pltpu.VMEM((CHUNK,), jnp.float32),
            pltpu.VMEM((2 * HID,), jnp.float32),
            pltpu.SemaphoreType.DMA,
            pltpu.SemaphoreType.DMA,
            pltpu.SemaphoreType.DMA,
            pltpu.SemaphoreType.DMA,
        ],
    )
    partials = sc(tbl, src, dst, w2)

    pr3 = partials.reshape(NS, E // 128, 128)
    out = pl.pallas_call(
        _finish_body,
        in_specs=[
            pl.BlockSpec(memory_space=pltpu.VMEM),
            pl.BlockSpec(memory_space=pltpu.SMEM),
        ],
        out_specs=pl.BlockSpec(memory_space=pltpu.VMEM),
        out_shape=jax.ShapeDtypeStruct((E // 128, 128), jnp.float32),
    )(pr3, b2.reshape(1, 1))

    return out.reshape(E, 1)

# --- scband reference (transcript-rebuilt; emitter-appended) ---
"""Pipeline reference for scband-graph-rewiring-module-90744069030529 (READ-ONLY COPY).

The authoritative reference and input builder live on the scoring server;
editing this copy changes nothing except your own understanding.
"""

import jax, jax.numpy as jnp
import numpy as np

N = 10000
E = 320000
D = 128
HID = 64

def setup_inputs(seed: int = 0) -> dict:
    key = jax.random.key(seed)
    k1, k2, k3, k4, k5, k6 = jax.random.split(key, 6)
    h = jax.random.normal(k1, (N, D), dtype=jnp.float32)
    edge_index = jax.random.randint(k2, (2, E), 0, N, dtype=jnp.int32)
    # attn MLP params: Linear(2D -> 64), Tanh, Linear(64 -> 1), Sigmoid
    bound1 = 1.0 / np.sqrt(2 * D)
    W1 = jax.random.uniform(k3, (2 * D, HID), dtype=jnp.float32, minval=-bound1, maxval=bound1)
    b1 = jax.random.uniform(k4, (HID,), dtype=jnp.float32, minval=-bound1, maxval=bound1)
    bound2 = 1.0 / np.sqrt(HID)
    W2 = jax.random.uniform(k5, (HID, 1), dtype=jnp.float32, minval=-bound2, maxval=bound2)
    b2 = jax.random.uniform(k6, (1,), dtype=jnp.float32, minval=-bound2, maxval=bound2)
    return {"h": h, "edge_index": edge_index, "W1": W1, "b1": b1, "W2": W2, "b2": b2}

def reference(h, edge_index, W1, b1, W2, b2):
    # apply_edges: score = attn(cat([src_h, dst_h], dim=1)) per edge
    src = jnp.take(h, edge_index[0], axis=0)   # [E, D]
    dst = jnp.take(h, edge_index[1], axis=0)   # [E, D]
    x = jnp.concatenate([src, dst], axis=1)    # [E, 2D]
    hid = jnp.tanh(x @ W1 + b1)                # [E, 64]
    score = jax.nn.sigmoid(hid @ W2 + b2)      # [E, 1]
    return score

if __name__ == "__main__":
    import jax
    _d = setup_inputs()
    print(jax.jit(kernel)(*tuple(_d.values())))

</pallas_src>

<mosaic_0001>
#map = affine_map<(d0, d1) -> (0, 0)>
#map1 = affine_map<(d0, d1) -> (0)>
module attributes {stable_mosaic.version = 14 : i64} {
  func.func @_sc_body(%arg0: i32, %arg1: i32, %arg2: memref<16x80000xf32, #tpu.memory_space<hbm>>, %arg3: memref<320000xi32, #tpu.memory_space<hbm>>, %arg4: memref<320000xi32, #tpu.memory_space<hbm>>, %arg5: memref<128xf32, #tpu.memory_space<hbm>>, %arg6: memref<16x320000xf32, #tpu.memory_space<hbm>>, %arg7: memref<80000xf32, #tpu.memory_space<vmem>>, %arg8: memref<6400xi32, #tpu.memory_space<vmem>>, %arg9: memref<6400xi32, #tpu.memory_space<vmem>>, %arg10: memref<6400xi32, #tpu.memory_space<vmem>>, %arg11: memref<6400xi32, #tpu.memory_space<vmem>>, %arg12: memref<6400xf32, #tpu.memory_space<vmem>>, %arg13: memref<6400xf32, #tpu.memory_space<vmem>>, %arg14: memref<128xf32, #tpu.memory_space<vmem>>, %arg15: memref<!tpu.dma_semaphore, #tpu.memory_space<semaphore_mem>>, %arg16: memref<!tpu.dma_semaphore, #tpu.memory_space<semaphore_mem>>, %arg17: memref<!tpu.dma_semaphore, #tpu.memory_space<semaphore_mem>>, %arg18: memref<!tpu.dma_semaphore, #tpu.memory_space<semaphore_mem>>) attributes {dimension_semantics = [#tpu.dimension_semantics<core_parallel>, #tpu.dimension_semantics<subcore_parallel>], iteration_bounds = array<i64: 2, 16>, scalar_prefetch = 0 : i64, scratch_operands = 12 : i64, tpu.core_type = #tpu.core_type<sc_vector_subcore>, window_params = [{transform_indices = #map}, {transform_indices = #map1}, {transform_indices = #map1}, {transform_indices = #map1}, {transform_indices = #map}]} {
    "tpu.region"() ({
      %run_scoped3A = tpu.sem_alloc : memref<!tpu.dma_semaphore, #tpu.memory_space<semaphore_mem>>
      %dma_start3A_72 = arith.constant 0 : i32
      %dma_start3A_73 = tpu.memref_slice %arg2[%arg1, %dma_start3A_72] : memref<16x80000xf32, #tpu.memory_space<hbm>> -> memref<1x80000xf32, #tpu.memory_space<hbm>>
      %dma_start3A_74 = tpu.memref_squeeze %dma_start3A_73 : memref<1x80000xf32, #tpu.memory_space<hbm>> -> memref<80000xf32, #tpu.memory_space<hbm>>
      %dma_start3A_75 = arith.constant 0 : i32
      %dma_start3A_76 = tpu.memref_slice %arg2[%arg1, %dma_start3A_75] : memref<16x80000xf32, #tpu.memory_space<hbm>> -> memref<1x80000xf32, #tpu.memory_space<hbm>>
      %dma_start3A_77 = tpu.memref_squeeze %dma_start3A_76 : memref<1x80000xf32, #tpu.memory_space<hbm>> -> memref<80000xf32, #tpu.memory_space<hbm>>
      tpu.enqueue_dma source(%dma_start3A_77 : memref<80000xf32, #tpu.memory_space<hbm>>) target(%arg7 : memref<80000xf32, #tpu.memory_space<vmem>>) target_semaphore(%run_scoped3A : memref<!tpu.dma_semaphore, #tpu.memory_space<semaphore_mem>>)
      %dma_wait3A_78 = arith.constant 0 : i32
      %dma_wait3A_79 = tpu.memref_slice %arg2[%arg1, %dma_wait3A_78] : memref<16x80000xf32, #tpu.memory_space<hbm>> -> memref<1x80000xf32, #tpu.memory_space<hbm>>
      %dma_wait3A_80 = tpu.memref_squeeze %dma_wait3A_79 : memref<1x80000xf32, #tpu.memory_space<hbm>> -> memref<80000xf32, #tpu.memory_space<hbm>>
      %dma_wait3A_81 = arith.constant 0 : i32
      %dma_wait3A_82 = tpu.memref_slice %arg2[%arg1, %dma_wait3A_81] : memref<16x80000xf32, #tpu.memory_space<hbm>> -> memref<1x80000xf32, #tpu.memory_space<hbm>>
      %dma_wait3A_83 = tpu.memref_squeeze %dma_wait3A_82 : memref<1x80000xf32, #tpu.memory_space<hbm>> -> memref<80000xf32, #tpu.memory_space<hbm>>
      tpu.wait_dma2 semaphore(%run_scoped3A : memref<!tpu.dma_semaphore, #tpu.memory_space<semaphore_mem>>) src(%dma_wait3A_83 : memref<80000xf32, #tpu.memory_space<hbm>>) dst(%arg7 : memref<80000xf32, #tpu.memory_space<vmem>>)
      tpu.yield
    }) : () -> ()
    "tpu.region"() ({
      %run_scoped3A = tpu.sem_alloc : memref<!tpu.dma_semaphore, #tpu.memory_space<semaphore_mem>>
      tpu.enqueue_dma source(%arg5 : memref<128xf32, #tpu.memory_space<hbm>>) target(%arg14 : memref<128xf32, #tpu.memory_space<vmem>>) target_semaphore(%run_scoped3A : memref<!tpu.dma_semaphore, #tpu.memory_space<semaphore_mem>>)
      tpu.wait_dma2 semaphore(%run_scoped3A : memref<!tpu.dma_semaphore, #tpu.memory_space<semaphore_mem>>) src(%arg5 : memref<128xf32, #tpu.memory_space<hbm>>) dst(%arg14 : memref<128xf32, #tpu.memory_space<vmem>>)
      tpu.yield
    }) : () -> ()
    %mul3A = arith.constant 4 : i32
    %mul3A_0 = arith.muli %arg1, %mul3A : i32
    %add3A = arith.constant 0 : i32
    %add3A_1 = arith.addi %mul3A_0, %add3A : i32
    %broadcast_in_dim3A = vector.broadcast %add3A_1 : i32 to vector<16xi32>
    %gather3A = tpu.vector_load_idx %arg14[%broadcast_in_dim3A] : memref<128xf32, #tpu.memory_space<vmem>>[vector<16xi32>], vector<16xf32>,
    %mul3A_2 = arith.constant 4 : i32
    %mul3A_3 = arith.muli %arg1, %mul3A_2 : i32
    %add3A_4 = arith.constant 1 : i32
    %add3A_5 = arith.addi %mul3A_3, %add3A_4 : i32
    %broadcast_in_dim3A_6 = vector.broadcast %add3A_5 : i32 to vector<16xi32>
    %gather3A_7 = tpu.vector_load_idx %arg14[%broadcast_in_dim3A_6] : memref<128xf32, #tpu.memory_space<vmem>>[vector<16xi32>], vector<16xf32>,
    %mul3A_8 = arith.constant 4 : i32
    %mul3A_9 = arith.muli %arg1, %mul3A_8 : i32
    %add3A_10 = arith.constant 2 : i32
    %add3A_11 = arith.addi %mul3A_9, %add3A_10 : i32
    %broadcast_in_dim3A_12 = vector.broadcast %add3A_11 : i32 to vector<16xi32>
    %gather3A_13 = tpu.vector_load_idx %arg14[%broadcast_in_dim3A_12] : memref<128xf32, #tpu.memory_space<vmem>>[vector<16xi32>], vector<16xf32>,
    %mul3A_14 = arith.constant 4 : i32
    %mul3A_15 = arith.muli %arg1, %mul3A_14 : i32
    %add3A_16 = arith.constant 3 : i32
    %add3A_17 = arith.addi %mul3A_15, %add3A_16 : i32
    %broadcast_in_dim3A_18 = vector.broadcast %add3A_17 : i32 to vector<16xi32>
    %gather3A_19 = tpu.vector_load_idx %arg14[%broadcast_in_dim3A_18] : memref<128xf32, #tpu.memory_space<vmem>>[vector<16xi32>], vector<16xf32>,
    %mul3A_20 = arith.constant 2.000000e+00 : f32
    %mul3A_21 = vector.broadcast %mul3A_20 : f32 to vector<16xf32>
    %mul3A_22 = arith.mulf %mul3A_21, %gather3A : vector<16xf32>
    %mul3A_23 = arith.constant 2.000000e+00 : f32
    %mul3A_24 = vector.broadcast %mul3A_23 : f32 to vector<16xf32>
    %mul3A_25 = arith.mulf %mul3A_24, %gather3A_7 : vector<16xf32>
    %mul3A_26 = arith.constant 2.000000e+00 : f32
    %mul3A_27 = vector.broadcast %mul3A_26 : f32 to vector<16xf32>
    %mul3A_28 = arith.mulf %mul3A_27, %gather3A_13 : vector<16xf32>
    %mul3A_29 = arith.constant 2.000000e+00 : f32
    %mul3A_30 = vector.broadcast %mul3A_29 : f32 to vector<16xf32>
    %mul3A_31 = arith.mulf %mul3A_30, %gather3A_19 : vector<16xf32>
    %add3A_32 = arith.addf %gather3A, %gather3A_7 : vector<16xf32>
    %add3A_33 = arith.addf %add3A_32, %gather3A_13 : vector<16xf32>
    %add3A_34 = arith.addf %add3A_33, %gather3A_19 : vector<16xf32>
    %mul3A_35 = arith.constant 160000 : i32
    %mul3A_36 = arith.muli %arg0, %mul3A_35 : i32
    %dma_start3A = tpu.memref_slice %arg3[%mul3A_36] : memref<320000xi32, #tpu.memory_space<hbm>> -> memref<6400xi32, #tpu.memory_space<hbm>>
    %dma_start3A_37 = tpu.memref_slice %arg3[%mul3A_36] : memref<320000xi32, #tpu.memory_space<hbm>> -> memref<6400xi32, #tpu.memory_space<hbm>>
    tpu.enqueue_dma source(%dma_start3A_37 : memref<6400xi32, #tpu.memory_space<hbm>>) target(%arg8 : memref<6400xi32, #tpu.memory_space<vmem>>) target_semaphore(%arg15 : memref<!tpu.dma_semaphore, #tpu.memory_space<semaphore_mem>>)
    %dma_start3A_38 = tpu.memref_slice %arg4[%mul3A_36] : memref<320000xi32, #tpu.memory_space<hbm>> -> memref<6400xi32, #tpu.memory_space<hbm>>
    %dma_start3A_39 = tpu.memref_slice %arg4[%mul3A_36] : memref<320000xi32, #tpu.memory_space<hbm>> -> memref<6400xi32, #tpu.memory_space<hbm>>
    tpu.enqueue_dma source(%dma_start3A_39 : memref<6400xi32, #tpu.memory_space<hbm>>) target(%arg9 : memref<6400xi32, #tpu.memory_space<vmem>>) target_semaphore(%arg15 : memref<!tpu.dma_semaphore, #tpu.memory_space<semaphore_mem>>)
    %scan3A = arith.constant 0 : i32
    %scan3A_40 = arith.constant 0 : i32
    %scan3A_41 = arith.constant 12 : i32
    %scan3A_42 = arith.addi %scan3A_40, %scan3A_41 : i32
    %scan3A_43 = arith.constant 1 : i32
    %scan3A_44 = scf.for %scan3A_72 = %scan3A_40 to %scan3A_42 step %scan3A_43 iter_args(%scan3A_73 = %scan3A) -> (i32)  : i32 {
      %mul3A_74 = arith.constant 2 : i32
      %mul3A_75 = arith.muli %mul3A_74, %scan3A_72 : i32
      %mul3A_76 = arith.constant 6400 : i32
      %mul3A_77 = arith.muli %mul3A_75, %mul3A_76 : i32
      %add3A_78 = arith.addi %mul3A_36, %mul3A_77 : i32
      %add3A_79 = arith.constant 6400 : i32
      %add3A_80 = arith.addi %add3A_78, %add3A_79 : i32
      %dma_start3A_81 = tpu.memref_slice %arg3[%add3A_80] : memref<320000xi32, #tpu.memory_space<hbm>> -> memref<6400xi32, #tpu.memory_space<hbm>>
      %dma_start3A_82 = tpu.memref_slice %arg3[%add3A_80] : memref<320000xi32, #tpu.memory_space<hbm>> -> memref<6400xi32, #tpu.memory_space<hbm>>
      tpu.enqueue_dma source(%dma_start3A_82 : memref<6400xi32, #tpu.memory_space<hbm>>) target(%arg10 : memref<6400xi32, #tpu.memory_space<vmem>>) target_semaphore(%arg16 : memref<!tpu.dma_semaphore, #tpu.memory_space<semaphore_mem>>)
      %dma_start3A_83 = tpu.memref_slice %arg4[%add3A_80] : memref<320000xi32, #tpu.memory_space<hbm>> -> memref<6400xi32, #tpu.memory_space<hbm>>
      %dma_start3A_84 = tpu.memref_slice %arg4[%add3A_80] : memref<320000xi32, #tpu.memory_space<hbm>> -> memref<6400xi32, #tpu.memory_space<hbm>>
      tpu.enqueue_dma source(%dma_start3A_84 : memref<6400xi32, #tpu.memory_space<hbm>>) target(%arg11 : memref<6400xi32, #tpu.memory_space<vmem>>) target_semaphore(%arg16 : memref<!tpu.dma_semaphore, #tpu.memory_space<semaphore_mem>>)
      %dma_wait3A_85 = tpu.memref_slice %arg3[%add3A_78] : memref<320000xi32, #tpu.memory_space<hbm>> -> memref<6400xi32, #tpu.memory_space<hbm>>
      %dma_wait3A_86 = tpu.memref_slice %arg3[%add3A_78] : memref<320000xi32, #tpu.memory_space<hbm>> -> memref<6400xi32, #tpu.memory_space<hbm>>
      tpu.wait_dma2 semaphore(%arg15 : memref<!tpu.dma_semaphore, #tpu.memory_space<semaphore_mem>>) src(%dma_wait3A_86 : memref<6400xi32, #tpu.memory_space<hbm>>) dst(%arg8 : memref<6400xi32, #tpu.memory_space<vmem>>)
      %dma_wait3A_87 = tpu.memref_slice %arg4[%add3A_78] : memref<320000xi32, #tpu.memory_space<hbm>> -> memref<6400xi32, #tpu.memory_space<hbm>>
      %dma_wait3A_88 = tpu.memref_slice %arg4[%add3A_78] : memref<320000xi32, #tpu.memory_space<hbm>> -> memref<6400xi32, #tpu.memory_space<hbm>>
      tpu.wait_dma2 semaphore(%arg15 : memref<!tpu.dma_semaphore, #tpu.memory_space<semaphore_mem>>) src(%dma_wait3A_88 : memref<6400xi32, #tpu.memory_space<hbm>>) dst(%arg9 : memref<6400xi32, #tpu.memory_space<vmem>>)
      %gt3A = arith.constant 0 : i32
      %gt3A_89 = arith.cmpi sgt, %scan3A_72, %gt3A : i32
      %convert_element_type3A = arith.extui %gt3A_89 : i1 to i32
      %cond3A = arith.constant 0 : i32
      %cond3A_90 = arith.cmpi ne, %convert_element_type3A, %cond3A : i32
      scf.if %cond3A_90 {
        %sub3A_121 = arith.constant 12800 : i32
        %sub3A_122 = arith.subi %add3A_78, %sub3A_121 : i32
        %dma_wait3A_123 = tpu.memref_slice %arg6[%arg1, %sub3A_122] : memref<16x320000xf32, #tpu.memory_space<hbm>> -> memref<1x6400xf32, #tpu.memory_space<hbm>>
        %dma_wait3A_124 = tpu.memref_squeeze %dma_wait3A_123 : memref<1x6400xf32, #tpu.memory_space<hbm>> -> memref<6400xf32, #tpu.memory_space<hbm>>
        %dma_wait3A_125 = tpu.memref_slice %arg6[%arg1, %sub3A_122] : memref<16x320000xf32, #tpu.memory_space<hbm>> -> memref<1x6400xf32, #tpu.memory_space<hbm>>
        %dma_wait3A_126 = tpu.memref_squeeze %dma_wait3A_125 : memref<1x6400xf32, #tpu.memory_space<hbm>> -> memref<6400xf32, #tpu.memory_space<hbm>>
        tpu.wait_dma2 semaphore(%arg17 : memref<!tpu.dma_semaphore, #tpu.memory_space<semaphore_mem>>) src(%arg12 : memref<6400xf32, #tpu.memory_space<vmem>>) dst(%dma_wait3A_126 : memref<6400xf32, #tpu.memory_space<hbm>>)
      } else {
      }
      %parallel_loop3A_91 = arith.constant 0 : i32
      %parallel_loop3A_92 = arith.constant 400 : i32
      %parallel_loop3A_93 = arith.constant 1 : i32
      scf.for %parallel_loop3A_121 = %parallel_loop3A_91 to %parallel_loop3A_92 step %parallel_loop3A_93  : i32 {
        %parallel_loop3A_122 = arith.constant 16 : i32
        %parallel_loop3A_123 = arith.muli %parallel_loop3A_121, %parallel_loop3A_122 : i32
        %parallel_loop3A_124 = arith.index_cast %parallel_loop3A_123 : i32 to index
        %parallel_loop3A_125 = tpu.vector_load %arg8[%parallel_loop3A_124] {strides = array<i32>} : memref<6400xi32, #tpu.memory_space<vmem>>, vector<16xi32>,
        %parallel_loop3A_126 = arith.constant 8 : i32
        %parallel_loop3A_127 = vector.broadcast %parallel_loop3A_126 : i32 to vector<16xi32>
        %parallel_loop3A_128 = arith.muli %parallel_loop3A_125, %parallel_loop3A_127 : vector<16xi32>
        %parallel_loop3A_129 = arith.index_cast %parallel_loop3A_123 : i32 to index
        %parallel_loop3A_130 = tpu.vector_load %arg9[%parallel_loop3A_129] {strides = array<i32>} : memref<6400xi32, #tpu.memory_space<vmem>>, vector<16xi32>,
        %parallel_loop3A_131 = arith.constant 8 : i32
        %parallel_loop3A_132 = vector.broadcast %parallel_loop3A_131 : i32 to vector<16xi32>
        %parallel_loop3A_133 = arith.muli %parallel_loop3A_130, %parallel_loop3A_132 : vector<16xi32>
        %parallel_loop3A_134 = arith.constant 0 : i32
        %parallel_loop3A_135 = vector.broadcast %parallel_loop3A_134 : i32 to vector<16xi32>
        %parallel_loop3A_136 = arith.addi %parallel_loop3A_128, %parallel_loop3A_135 : vector<16xi32>
        %parallel_loop3A_137 = tpu.vector_load_idx %arg7[%parallel_loop3A_136] : memref<80000xf32, #tpu.memory_space<vmem>>[vector<16xi32>], vector<16xf32>,
        %parallel_loop3A_138 = arith.constant 4 : i32
        %parallel_loop3A_139 = vector.broadcast %parallel_loop3A_138 : i32 to vector<16xi32>
        %parallel_loop3A_140 = arith.addi %parallel_loop3A_133, %parallel_loop3A_139 : vector<16xi32>
        %parallel_loop3A_141 = tpu.vector_load_idx %arg7[%parallel_loop3A_140] : memref<80000xf32, #tpu.memory_space<vmem>>[vector<16xi32>], vector<16xf32>,
        %parallel_loop3A_142 = arith.addf %parallel_loop3A_137, %parallel_loop3A_141 : vector<16xf32>
        %parallel_loop3A_143 = math.exp %parallel_loop3A_142 : vector<16xf32>
        %parallel_loop3A_144 = arith.constant 1.000000e+00 : f32
        %parallel_loop3A_145 = vector.broadcast %parallel_loop3A_144 : f32 to vector<16xf32>
        %parallel_loop3A_146 = arith.addf %parallel_loop3A_143, %parallel_loop3A_145 : vector<16xf32>
        %parallel_loop3A_147 = arith.divf %mul3A_22, %parallel_loop3A_146 : vector<16xf32>
        %parallel_loop3A_148 = arith.subf %add3A_34, %parallel_loop3A_147 : vector<16xf32>
        %parallel_loop3A_149 = arith.constant 1 : i32
        %parallel_loop3A_150 = vector.broadcast %parallel_loop3A_149 : i32 to vector<16xi32>
        %parallel_loop3A_151 = arith.addi %parallel_loop3A_128, %parallel_loop3A_150 : vector<16xi32>
        %parallel_loop3A_152 = tpu.vector_load_idx %arg7[%parallel_loop3A_151] : memref<80000xf32, #tpu.memory_space<vmem>>[vector<16xi32>], vector<16xf32>,
        %parallel_loop3A_153 = arith.constant 5 : i32
        %parallel_loop3A_154 = vector.broadcast %parallel_loop3A_153 : i32 to vector<16xi32>
        %parallel_loop3A_155 = arith.addi %parallel_loop3A_133, %parallel_loop3A_154 : vector<16xi32>
        %parallel_loop3A_156 = tpu.vector_load_idx %arg7[%parallel_loop3A_155] : memref<80000xf32, #tpu.memory_space<vmem>>[vector<16xi32>], vector<16xf32>,
        %parallel_loop3A_157 = arith.addf %parallel_loop3A_152, %parallel_loop3A_156 : vector<16xf32>
        %parallel_loop3A_158 = math.exp %parallel_loop3A_157 : vector<16xf32>
        %parallel_loop3A_159 = arith.constant 1.000000e+00 : f32
        %parallel_loop3A_160 = vector.broadcast %parallel_loop3A_159 : f32 to vector<16xf32>
        %parallel_loop3A_161 = arith.addf %parallel_loop3A_158, %parallel_loop3A_160 : vector<16xf32>
        %parallel_loop3A_162 = arith.divf %mul3A_25, %parallel_loop3A_161 : vector<16xf32>
        %parallel_loop3A_163 = arith.subf %parallel_loop3A_148, %parallel_loop3A_162 : vector<16xf32>
        %parallel_loop3A_164 = arith.constant 2 : i32
        %parallel_loop3A_165 = vector.broadcast %parallel_loop3A_164 : i32 to vector<16xi32>
        %parallel_loop3A_166 = arith.addi %parallel_loop3A_128, %parallel_loop3A_165 : vector<16xi32>
        %parallel_loop3A_167 = tpu.vector_load_idx %arg7[%parallel_loop3A_166] : memref<80000xf32, #tpu.memory_space<vmem>>[vector<16xi32>], vector<16xf32>,
        %parallel_loop3A_168 = arith.constant 6 : i32
        %parallel_loop3A_169 = vector.broadcast %parallel_loop3A_168 : i32 to vector<16xi32>
        %parallel_loop3A_170 = arith.addi %parallel_loop3A_133, %parallel_loop3A_169 : vector<16xi32>
        %parallel_loop3A_171 = tpu.vector_load_idx %arg7[%parallel_loop3A_170] : memref<80000xf32, #tpu.memory_space<vmem>>[vector<16xi32>], vector<16xf32>,
        %parallel_loop3A_172 = arith.addf %parallel_loop3A_167, %parallel_loop3A_171 : vector<16xf32>
        %parallel_loop3A_173 = math.exp %parallel_loop3A_172 : vector<16xf32>
        %parallel_loop3A_174 = arith.constant 1.000000e+00 : f32
        %parallel_loop3A_175 = vector.broadcast %parallel_loop3A_174 : f32 to vector<16xf32>
        %parallel_loop3A_176 = arith.addf %parallel_loop3A_173, %parallel_loop3A_175 : vector<16xf32>
        %parallel_loop3A_177 = arith.divf %mul3A_28, %parallel_loop3A_176 : vector<16xf32>
        %parallel_loop3A_178 = arith.subf %parallel_loop3A_163, %parallel_loop3A_177 : vector<16xf32>
        %parallel_loop3A_179 = arith.constant 3 : i32
        %parallel_loop3A_180 = vector.broadcast %parallel_loop3A_179 : i32 to vector<16xi32>
        %parallel_loop3A_181 = arith.addi %parallel_loop3A_128, %parallel_loop3A_180 : vector<16xi32>
        %parallel_loop3A_182 = tpu.vector_load_idx %arg7[%parallel_loop3A_181] : memref<80000xf32, #tpu.memory_space<vmem>>[vector<16xi32>], vector<16xf32>,
        %parallel_loop3A_183 = arith.constant 7 : i32
        %parallel_loop3A_184 = vector.broadcast %parallel_loop3A_183 : i32 to vector<16xi32>
        %parallel_loop3A_185 = arith.addi %parallel_loop3A_133, %parallel_loop3A_184 : vector<16xi32>
        %parallel_loop3A_186 = tpu.vector_load_idx %arg7[%parallel_loop3A_185] : memref<80000xf32, #tpu.memory_space<vmem>>[vector<16xi32>], vector<16xf32>,
        %parallel_loop3A_187 = arith.addf %parallel_loop3A_182, %parallel_loop3A_186 : vector<16xf32>
        %parallel_loop3A_188 = math.exp %parallel_loop3A_187 : vector<16xf32>
        %parallel_loop3A_189 = arith.constant 1.000000e+00 : f32
        %parallel_loop3A_190 = vector.broadcast %parallel_loop3A_189 : f32 to vector<16xf32>
        %parallel_loop3A_191 = arith.addf %parallel_loop3A_188, %parallel_loop3A_190 : vector<16xf32>
        %parallel_loop3A_192 = arith.divf %mul3A_31, %parallel_loop3A_191 : vector<16xf32>
        %parallel_loop3A_193 = arith.subf %parallel_loop3A_178, %parallel_loop3A_192 : vector<16xf32>
        %parallel_loop3A_194 = arith.index_cast %parallel_loop3A_123 : i32 to index
        %parallel_loop3A_195 = tpu.vector_load %arg12[%parallel_loop3A_194] {strides = array<i32>} : memref<6400xf32, #tpu.memory_space<vmem>>, vector<16xf32>,
        tpu.vector_store %arg12[%parallel_loop3A_194], %parallel_loop3A_193 {strides = array<i32>} : memref<6400xf32, #tpu.memory_space<vmem>>, vector<16xf32>,
      } {sc.loop_unroll_factor = 8 : i64, sc.parallel_access}
      %dma_start3A_94 = tpu.memref_slice %arg6[%arg1, %add3A_78] : memref<16x320000xf32, #tpu.memory_space<hbm>> -> memref<1x6400xf32, #tpu.memory_space<hbm>>
      %dma_start3A_95 = tpu.memref_squeeze %dma_start3A_94 : memref<1x6400xf32, #tpu.memory_space<hbm>> -> memref<6400xf32, #tpu.memory_space<hbm>>
      %dma_start3A_96 = tpu.memref_slice %arg6[%arg1, %add3A_78] : memref<16x320000xf32, #tpu.memory_space<hbm>> -> memref<1x6400xf32, #tpu.memory_space<hbm>>
      %dma_start3A_97 = tpu.memref_squeeze %dma_start3A_96 : memref<1x6400xf32, #tpu.memory_space<hbm>> -> memref<6400xf32, #tpu.memory_space<hbm>>
      tpu.enqueue_dma source(%arg12 : memref<6400xf32, #tpu.memory_space<vmem>>) target(%dma_start3A_97 : memref<6400xf32, #tpu.memory_space<hbm>>) target_semaphore(%arg17 : memref<!tpu.dma_semaphore, #tpu.memory_space<semaphore_mem>>)
      %add3A_98 = arith.constant 12800 : i32
      %add3A_99 = arith.addi %add3A_78, %add3A_98 : i32
      %dma_start3A_100 = tpu.memref_slice %arg3[%add3A_99] : memref<320000xi32, #tpu.memory_space<hbm>> -> memref<6400xi32, #tpu.memory_space<hbm>>
      %dma_start3A_101 = tpu.memref_slice %arg3[%add3A_99] : memref<320000xi32, #tpu.memory_space<hbm>> -> memref<6400xi32, #tpu.memory_space<hbm>>
      tpu.enqueue_dma source(%dma_start3A_101 : memref<6400xi32, #tpu.memory_space<hbm>>) target(%arg8 : memref<6400xi32, #tpu.memory_space<vmem>>) target_semaphore(%arg15 : memref<!tpu.dma_semaphore, #tpu.memory_space<semaphore_mem>>)
      %dma_start3A_102 = tpu.memref_slice %arg4[%add3A_99] : memref<320000xi32, #tpu.memory_space<hbm>> -> memref<6400xi32, #tpu.memory_space<hbm>>
      %dma_start3A_103 = tpu.memref_slice %arg4[%add3A_99] : memref<320000xi32, #tpu.memory_space<hbm>> -> memref<6400xi32, #tpu.memory_space<hbm>>
      tpu.enqueue_dma source(%dma_start3A_103 : memref<6400xi32, #tpu.memory_space<hbm>>) target(%arg9 : memref<6400xi32, #tpu.memory_space<vmem>>) target_semaphore(%arg15 : memref<!tpu.dma_semaphore, #tpu.memory_space<semaphore_mem>>)
      %dma_wait3A_104 = tpu.memref_slice %arg3[%add3A_80] : memref<320000xi32, #tpu.memory_space<hbm>> -> memref<6400xi32, #tpu.memory_space<hbm>>
      %dma_wait3A_105 = tpu.memref_slice %arg3[%add3A_80] : memref<320000xi32, #tpu.memory_space<hbm>> -> memref<6400xi32, #tpu.memory_space<hbm>>
      tpu.wait_dma2 semaphore(%arg16 : memref<!tpu.dma_semaphore, #tpu.memory_space<semaphore_mem>>) src(%dma_wait3A_105 : memref<6400xi32, #tpu.memory_space<hbm>>) dst(%arg10 : memref<6400xi32, #tpu.memory_space<vmem>>)
      %dma_wait3A_106 = tpu.memref_slice %arg4[%add3A_80] : memref<320000xi32, #tpu.memory_space<hbm>> -> memref<6400xi32, #tpu.memory_space<hbm>>
      %dma_wait3A_107 = tpu.memref_slice %arg4[%add3A_80] : memref<320000xi32, #tpu.memory_space<hbm>> -> memref<6400xi32, #tpu.memory_space<hbm>>
      tpu.wait_dma2 semaphore(%arg16 : memref<!tpu.dma_semaphore, #tpu.memory_space<semaphore_mem>>) src(%dma_wait3A_107 : memref<6400xi32, #tpu.memory_space<hbm>>) dst(%arg11 : memref<6400xi32, #tpu.memory_space<vmem>>)
      %gt3A_108 = arith.constant 0 : i32
      %gt3A_109 = arith.cmpi sgt, %scan3A_72, %gt3A_108 : i32
      %convert_element_type3A_110 = arith.extui %gt3A_109 : i1 to i32
      %cond3A_111 = arith.constant 0 : i32
      %cond3A_112 = arith.cmpi ne, %convert_element_type3A_110, %cond3A_111 : i32
      scf.if %cond3A_112 {
        %sub3A_121 = arith.constant 12800 : i32
        %sub3A_122 = arith.subi %add3A_80, %sub3A_121 : i32
        %dma_wait3A_123 = tpu.memref_slice %arg6[%arg1, %sub3A_122] : memref<16x320000xf32, #tpu.memory_space<hbm>> -> memref<1x6400xf32, #tpu.memory_space<hbm>>
        %dma_wait3A_124 = tpu.memref_squeeze %dma_wait3A_123 : memref<1x6400xf32, #tpu.memory_space<hbm>> -> memref<6400xf32, #tpu.memory_space<hbm>>
        %dma_wait3A_125 = tpu.memref_slice %arg6[%arg1, %sub3A_122] : memref<16x320000xf32, #tpu.memory_space<hbm>> -> memref<1x6400xf32, #tpu.memory_space<hbm>>
        %dma_wait3A_126 = tpu.memref_squeeze %dma_wait3A_125 : memref<1x6400xf32, #tpu.memory_space<hbm>> -> memref<6400xf32, #tpu.memory_space<hbm>>
        tpu.wait_dma2 semaphore(%arg18 : memref<!tpu.dma_semaphore, #tpu.memory_space<semaphore_mem>>) src(%arg13 : memref<6400xf32, #tpu.memory_space<vmem>>) dst(%dma_wait3A_126 : memref<6400xf32, #tpu.memory_space<hbm>>)
      } else {
      }
      %parallel_loop3A_113 = arith.constant 0 : i32
      %parallel_loop3A_114 = arith.constant 400 : i32
      %parallel_loop3A_115 = arith.constant 1 : i32
      scf.for %parallel_loop3A_121 = %parallel_loop3A_113 to %parallel_loop3A_114 step %parallel_loop3A_115  : i32 {
        %parallel_loop3A_122 = arith.constant 16 : i32
        %parallel_loop3A_123 = arith.muli %parallel_loop3A_121, %parallel_loop3A_122 : i32
        %parallel_loop3A_124 = arith.index_cast %parallel_loop3A_123 : i32 to index
        %parallel_loop3A_125 = tpu.vector_load %arg10[%parallel_loop3A_124] {strides = array<i32>} : memref<6400xi32, #tpu.memory_space<vmem>>, vector<16xi32>,
        %parallel_loop3A_126 = arith.constant 8 : i32
        %parallel_loop3A_127 = vector.broadcast %parallel_loop3A_126 : i32 to vector<16xi32>
        %parallel_loop3A_128 = arith.muli %parallel_loop3A_125, %parallel_loop3A_127 : vector<16xi32>
        %parallel_loop3A_129 = arith.index_cast %parallel_loop3A_123 : i32 to index
        %parallel_loop3A_130 = tpu.vector_load %arg11[%parallel_loop3A_129] {strides = array<i32>} : memref<6400xi32, #tpu.memory_space<vmem>>, vector<16xi32>,
        %parallel_loop3A_131 = arith.constant 8 : i32
        %parallel_loop3A_132 = vector.broadcast %parallel_loop3A_131 : i32 to vector<16xi32>
        %parallel_loop3A_133 = arith.muli %parallel_loop3A_130, %parallel_loop3A_132 : vector<16xi32>
        %parallel_loop3A_134 = arith.constant 0 : i32
        %parallel_loop3A_135 = vector.broadcast %parallel_loop3A_134 : i32 to vector<16xi32>
        %parallel_loop3A_136 = arith.addi %parallel_loop3A_128, %parallel_loop3A_135 : vector<16xi32>
        %parallel_loop3A_137 = tpu.vector_load_idx %arg7[%parallel_loop3A_136] : memref<80000xf32, #tpu.memory_space<vmem>>[vector<16xi32>], vector<16xf32>,
        %parallel_loop3A_138 = arith.constant 4 : i32
        %parallel_loop3A_139 = vector.broadcast %parallel_loop3A_138 : i32 to vector<16xi32>
        %parallel_loop3A_140 = arith.addi %parallel_loop3A_133, %parallel_loop3A_139 : vector<16xi32>
        %parallel_loop3A_141 = tpu.vector_load_idx %arg7[%parallel_loop3A_140] : memref<80000xf32, #tpu.memory_space<vmem>>[vector<16xi32>], vector<16xf32>,
        %parallel_loop3A_142 = arith.addf %parallel_loop3A_137, %parallel_loop3A_141 : vector<16xf32>
        %parallel_loop3A_143 = math.exp %parallel_loop3A_142 : vector<16xf32>
        %parallel_loop3A_144 = arith.constant 1.000000e+00 : f32
        %parallel_loop3A_145 = vector.broadcast %parallel_loop3A_144 : f32 to vector<16xf32>
        %parallel_loop3A_146 = arith.addf %parallel_loop3A_143, %parallel_loop3A_145 : vector<16xf32>
        %parallel_loop3A_147 = arith.divf %mul3A_22, %parallel_loop3A_146 : vector<16xf32>
        %parallel_loop3A_148 = arith.subf %add3A_34, %parallel_loop3A_147 : vector<16xf32>
        %parallel_loop3A_149 = arith.constant 1 : i32
        %parallel_loop3A_150 = vector.broadcast %parallel_loop3A_149 : i32 to vector<16xi32>
        %parallel_loop3A_151 = arith.addi %parallel_loop3A_128, %parallel_loop3A_150 : vector<16xi32>
        %parallel_loop3A_152 = tpu.vector_load_idx %arg7[%parallel_loop3A_151] : memref<80000xf32, #tpu.memory_space<vmem>>[vector<16xi32>], vector<16xf32>,
        %parallel_loop3A_153 = arith.constant 5 : i32
        %parallel_loop3A_154 = vector.broadcast %parallel_loop3A_153 : i32 to vector<16xi32>
        %parallel_loop3A_155 = arith.addi %parallel_loop3A_133, %parallel_loop3A_154 : vector<16xi32>
        %parallel_loop3A_156 = tpu.vector_load_idx %arg7[%parallel_loop3A_155] : memref<80000xf32, #tpu.memory_space<vmem>>[vector<16xi32>], vector<16xf32>,
        %parallel_loop3A_157 = arith.addf %parallel_loop3A_152, %parallel_loop3A_156 : vector<16xf32>
        %parallel_loop3A_158 = math.exp %parallel_loop3A_157 : vector<16xf32>
        %parallel_loop3A_159 = arith.constant 1.000000e+00 : f32
        %parallel_loop3A_160 = vector.broadcast %parallel_loop3A_159 : f32 to vector<16xf32>
        %parallel_loop3A_161 = arith.addf %parallel_loop3A_158, %parallel_loop3A_160 : vector<16xf32>
        %parallel_loop3A_162 = arith.divf %mul3A_25, %parallel_loop3A_161 : vector<16xf32>
        %parallel_loop3A_163 = arith.subf %parallel_loop3A_148, %parallel_loop3A_162 : vector<16xf32>
        %parallel_loop3A_164 = arith.constant 2 : i32
        %parallel_loop3A_165 = vector.broadcast %parallel_loop3A_164 : i32 to vector<16xi32>
        %parallel_loop3A_166 = arith.addi %parallel_loop3A_128, %parallel_loop3A_165 : vector<16xi32>
        %parallel_loop3A_167 = tpu.vector_load_idx %arg7[%parallel_loop3A_166] : memref<80000xf32, #tpu.memory_space<vmem>>[vector<16xi32>], vector<16xf32>,
        %parallel_loop3A_168 = arith.constant 6 : i32
        %parallel_loop3A_169 = vector.broadcast %parallel_loop3A_168 : i32 to vector<16xi32>
        %parallel_loop3A_170 = arith.addi %parallel_loop3A_133, %parallel_loop3A_169 : vector<16xi32>
        %parallel_loop3A_171 = tpu.vector_load_idx %arg7[%parallel_loop3A_170] : memref<80000xf32, #tpu.memory_space<vmem>>[vector<16xi32>], vector<16xf32>,
        %parallel_loop3A_172 = arith.addf %parallel_loop3A_167, %parallel_loop3A_171 : vector<16xf32>
        %parallel_loop3A_173 = math.exp %parallel_loop3A_172 : vector<16xf32>
        %parallel_loop3A_174 = arith.constant 1.000000e+00 : f32
        %parallel_loop3A_175 = vector.broadcast %parallel_loop3A_174 : f32 to vector<16xf32>
        %parallel_loop3A_176 = arith.addf %parallel_loop3A_173, %parallel_loop3A_175 : vector<16xf32>
        %parallel_loop3A_177 = arith.divf %mul3A_28, %parallel_loop3A_176 : vector<16xf32>
        %parallel_loop3A_178 = arith.subf %parallel_loop3A_163, %parallel_loop3A_177 : vector<16xf32>
        %parallel_loop3A_179 = arith.constant 3 : i32
        %parallel_loop3A_180 = vector.broadcast %parallel_loop3A_179 : i32 to vector<16xi32>
        %parallel_loop3A_181 = arith.addi %parallel_loop3A_128, %parallel_loop3A_180 : vector<16xi32>
        %parallel_loop3A_182 = tpu.vector_load_idx %arg7[%parallel_loop3A_181] : memref<80000xf32, #tpu.memory_space<vmem>>[vector<16xi32>], vector<16xf32>,
        %parallel_loop3A_183 = arith.constant 7 : i32
        %parallel_loop3A_184 = vector.broadcast %parallel_loop3A_183 : i32 to vector<16xi32>
        %parallel_loop3A_185 = arith.addi %parallel_loop3A_133, %parallel_loop3A_184 : vector<16xi32>
        %parallel_loop3A_186 = tpu.vector_load_idx %arg7[%parallel_loop3A_185] : memref<80000xf32, #tpu.memory_space<vmem>>[vector<16xi32>], vector<16xf32>,
        %parallel_loop3A_187 = arith.addf %parallel_loop3A_182, %parallel_loop3A_186 : vector<16xf32>
        %parallel_loop3A_188 = math.exp %parallel_loop3A_187 : vector<16xf32>
        %parallel_loop3A_189 = arith.constant 1.000000e+00 : f32
        %parallel_loop3A_190 = vector.broadcast %parallel_loop3A_189 : f32 to vector<16xf32>
        %parallel_loop3A_191 = arith.addf %parallel_loop3A_188, %parallel_loop3A_190 : vector<16xf32>
        %parallel_loop3A_192 = arith.divf %mul3A_31, %parallel_loop3A_191 : vector<16xf32>
        %parallel_loop3A_193 = arith.subf %parallel_loop3A_178, %parallel_loop3A_192 : vector<16xf32>
        %parallel_loop3A_194 = arith.index_cast %parallel_loop3A_123 : i32 to index
        %parallel_loop3A_195 = tpu.vector_load %arg13[%parallel_loop3A_194] {strides = array<i32>} : memref<6400xf32, #tpu.memory_space<vmem>>, vector<16xf32>,
        tpu.vector_store %arg13[%parallel_loop3A_194], %parallel_loop3A_193 {strides = array<i32>} : memref<6400xf32, #tpu.memory_space<vmem>>, vector<16xf32>,
      } {sc.loop_unroll_factor = 8 : i64, sc.parallel_access}
      %dma_start3A_116 = tpu.memref_slice %arg6[%arg1, %add3A_80] : memref<16x320000xf32, #tpu.memory_space<hbm>> -> memref<1x6400xf32, #tpu.memory_space<hbm>>
      %dma_start3A_117 = tpu.memref_squeeze %dma_start3A_116 : memref<1x6400xf32, #tpu.memory_space<hbm>> -> memref<6400xf32, #tpu.memory_space<hbm>>
      %dma_start3A_118 = tpu.memref_slice %arg6[%arg1, %add3A_80] : memref<16x320000xf32, #tpu.memory_space<hbm>> -> memref<1x6400xf32, #tpu.memory_space<hbm>>
      %dma_start3A_119 = tpu.memref_squeeze %dma_start3A_118 : memref<1x6400xf32, #tpu.memory_space<hbm>> -> memref<6400xf32, #tpu.memory_space<hbm>>
      tpu.enqueue_dma source(%arg13 : memref<6400xf32, #tpu.memory_space<vmem>>) target(%dma_start3A_119 : memref<6400xf32, #tpu.memory_space<hbm>>) target_semaphore(%arg18 : memref<!tpu.dma_semaphore, #tpu.memory_space<semaphore_mem>>)
      %scan3A_120 = arith.constant 0 : i32
      scf.yield %scan3A_120 : i32
    }
    %scan3A_45 = arith.constant 12 : i32
    %add3A_46 = arith.constant 153600 : i32
    %add3A_47 = arith.addi %mul3A_36, %add3A_46 : i32
    %dma_wait3A = tpu.memref_slice %arg3[%add3A_47] : memref<320000xi32, #tpu.memory_space<hbm>> -> memref<6400xi32, #tpu.memory_space<hbm>>
    %dma_wait3A_48 = tpu.memref_slice %arg3[%add3A_47] : memref<320000xi32, #tpu.memory_space<hbm>> -> memref<6400xi32, #tpu.memory_space<hbm>>
    tpu.wait_dma2 semaphore(%arg15 : memref<!tpu.dma_semaphore, #tpu.memory_space<semaphore_mem>>) src(%dma_wait3A_48 : memref<6400xi32, #tpu.memory_space<hbm>>) dst(%arg8 : memref<6400xi32, #tpu.memory_space<vmem>>)
    %dma_wait3A_49 = tpu.memref_slice %arg4[%add3A_47] : memref<320000xi32, #tpu.memory_space<hbm>> -> memref<6400xi32, #tpu.memory_space<hbm>>
    %dma_wait3A_50 = tpu.memref_slice %arg4[%add3A_47] : memref<320000xi32, #tpu.memory_space<hbm>> -> memref<6400xi32, #tpu.memory_space<hbm>>
    tpu.wait_dma2 semaphore(%arg15 : memref<!tpu.dma_semaphore, #tpu.memory_space<semaphore_mem>>) src(%dma_wait3A_50 : memref<6400xi32, #tpu.memory_space<hbm>>) dst(%arg9 : memref<6400xi32, #tpu.memory_space<vmem>>)
    %sub3A = arith.constant 12800 : i32
    %sub3A_51 = arith.subi %add3A_47, %sub3A : i32
    %dma_wait3A_52 = tpu.memref_slice %arg6[%arg1, %sub3A_51] : memref<16x320000xf32, #tpu.memory_space<hbm>> -> memref<1x6400xf32, #tpu.memory_space<hbm>>
    %dma_wait3A_53 = tpu.memref_squeeze %dma_wait3A_52 : memref<1x6400xf32, #tpu.memory_space<hbm>> -> memref<6400xf32, #tpu.memory_space<hbm>>
    %dma_wait3A_54 = tpu.memref_slice %arg6[%arg1, %sub3A_51] : memref<16x320000xf32, #tpu.memory_space<hbm>> -> memref<1x6400xf32, #tpu.memory_space<hbm>>
    %dma_wait3A_55 = tpu.memref_squeeze %dma_wait3A_54 : memref<1x6400xf32, #tpu.memory_space<hbm>> -> memref<6400xf32, #tpu.memory_space<hbm>>
    tpu.wait_dma2 semaphore(%arg17 : memref<!tpu.dma_semaphore, #tpu.memory_space<semaphore_mem>>) src(%arg12 : memref<6400xf32, #tpu.memory_space<vmem>>) dst(%dma_wait3A_55 : memref<6400xf32, #tpu.memory_space<hbm>>)
    %parallel_loop3A = arith.constant 0 : i32
    %parallel_loop3A_56 = arith.constant 400 : i32
    %parallel_loop3A_57 = arith.constant 1 : i32
    scf.for %parallel_loop3A_72 = %parallel_loop3A to %parallel_loop3A_56 step %parallel_loop3A_57  : i32 {
      %parallel_loop3A_73 = arith.constant 16 : i32
      %parallel_loop3A_74 = arith.muli %parallel_loop3A_72, %parallel_loop3A_73 : i32
      %parallel_loop3A_75 = arith.index_cast %parallel_loop3A_74 : i32 to index
      %parallel_loop3A_76 = tpu.vector_load %arg8[%parallel_loop3A_75] {strides = array<i32>} : memref<6400xi32, #tpu.memory_space<vmem>>, vector<16xi32>,
      %parallel_loop3A_77 = arith.constant 8 : i32
      %parallel_loop3A_78 = vector.broadcast %parallel_loop3A_77 : i32 to vector<16xi32>
      %parallel_loop3A_79 = arith.muli %parallel_loop3A_76, %parallel_loop3A_78 : vector<16xi32>
      %parallel_loop3A_80 = arith.index_cast %parallel_loop3A_74 : i32 to index
      %parallel_loop3A_81 = tpu.vector_load %arg9[%parallel_loop3A_80] {strides = array<i32>} : memref<6400xi32, #tpu.memory_space<vmem>>, vector<16xi32>,
      %parallel_loop3A_82 = arith.constant 8 : i32
      %parallel_loop3A_83 = vector.broadcast %parallel_loop3A_82 : i32 to vector<16xi32>
      %parallel_loop3A_84 = arith.muli %parallel_loop3A_81, %parallel_loop3A_83 : vector<16xi32>
      %parallel_loop3A_85 = arith.constant 0 : i32
      %parallel_loop3A_86 = vector.broadcast %parallel_loop3A_85 : i32 to vector<16xi32>
      %parallel_loop3A_87 = arith.addi %parallel_loop3A_79, %parallel_loop3A_86 : vector<16xi32>
      %parallel_loop3A_88 = tpu.vector_load_idx %arg7[%parallel_loop3A_87] : memref<80000xf32, #tpu.memory_space<vmem>>[vector<16xi32>], vector<16xf32>,
      %parallel_loop3A_89 = arith.constant 4 : i32
      %parallel_loop3A_90 = vector.broadcast %parallel_loop3A_89 : i32 to vector<16xi32>
      %parallel_loop3A_91 = arith.addi %parallel_loop3A_84, %parallel_loop3A_90 : vector<16xi32>
      %parallel_loop3A_92 = tpu.vector_load_idx %arg7[%parallel_loop3A_91] : memref<80000xf32, #tpu.memory_space<vmem>>[vector<16xi32>], vector<16xf32>,
      %parallel_loop3A_93 = arith.addf %parallel_loop3A_88, %parallel_loop3A_92 : vector<16xf32>
      %parallel_loop3A_94 = math.exp %parallel_loop3A_93 : vector<16xf32>
      %parallel_loop3A_95 = arith.constant 1.000000e+00 : f32
      %parallel_loop3A_96 = vector.broadcast %parallel_loop3A_95 : f32 to vector<16xf32>
      %parallel_loop3A_97 = arith.addf %parallel_loop3A_94, %parallel_loop3A_96 : vector<16xf32>
      %parallel_loop3A_98 = arith.divf %mul3A_22, %parallel_loop3A_97 : vector<16xf32>
      %parallel_loop3A_99 = arith.subf %add3A_34, %parallel_loop3A_98 : vector<16xf32>
      %parallel_loop3A_100 = arith.constant 1 : i32
      %parallel_loop3A_101 = vector.broadcast %parallel_loop3A_100 : i32 to vector<16xi32>
      %parallel_loop3A_102 = arith.addi %parallel_loop3A_79, %parallel_loop3A_101 : vector<16xi32>
      %parallel_loop3A_103 = tpu.vector_load_idx %arg7[%parallel_loop3A_102] : memref<80000xf32, #tpu.memory_space<vmem>>[vector<16xi32>], vector<16xf32>,
      %parallel_loop3A_104 = arith.constant 5 : i32
      %parallel_loop3A_105 = vector.broadcast %parallel_loop3A_104 : i32 to vector<16xi32>
      %parallel_loop3A_106 = arith.addi %parallel_loop3A_84, %parallel_loop3A_105 : vector<16xi32>
      %parallel_loop3A_107 = tpu.vector_load_idx %arg7[%parallel_loop3A_106] : memref<80000xf32, #tpu.memory_space<vmem>>[vector<16xi32>], vector<16xf32>,
      %parallel_loop3A_108 = arith.addf %parallel_loop3A_103, %parallel_loop3A_107 : vector<16xf32>
      %parallel_loop3A_109 = math.exp %parallel_loop3A_108 : vector<16xf32>
      %parallel_loop3A_110 = arith.constant 1.000000e+00 : f32
      %parallel_loop3A_111 = vector.broadcast %parallel_loop3A_110 : f32 to vector<16xf32>
      %parallel_loop3A_112 = arith.addf %parallel_loop3A_109, %parallel_loop3A_111 : vector<16xf32>
      %parallel_loop3A_113 = arith.divf %mul3A_25, %parallel_loop3A_112 : vector<16xf32>
      %parallel_loop3A_114 = arith.subf %parallel_loop3A_99, %parallel_loop3A_113 : vector<16xf32>
      %parallel_loop3A_115 = arith.constant 2 : i32
      %parallel_loop3A_116 = vector.broadcast %parallel_loop3A_115 : i32 to vector<16xi32>
      %parallel_loop3A_117 = arith.addi %parallel_loop3A_79, %parallel_loop3A_116 : vector<16xi32>
      %parallel_loop3A_118 = tpu.vector_load_idx %arg7[%parallel_loop3A_117] : memref<80000xf32, #tpu.memory_space<vmem>>[vector<16xi32>], vector<16xf32>,
      %parallel_loop3A_119 = arith.constant 6 : i32
      %parallel_loop3A_120 = vector.broadcast %parallel_loop3A_119 : i32 to vector<16xi32>
      %parallel_loop3A_121 = arith.addi %parallel_loop3A_84, %parallel_loop3A_120 : vector<16xi32>
      %parallel_loop3A_122 = tpu.vector_load_idx %arg7[%parallel_loop3A_121] : memref<80000xf32, #tpu.memory_space<vmem>>[vector<16xi32>], vector<16xf32>,
      %parallel_loop3A_123 = arith.addf %parallel_loop3A_118, %parallel_loop3A_122 : vector<16xf32>
      %parallel_loop3A_124 = math.exp %parallel_loop3A_123 : vector<16xf32>
      %parallel_loop3A_125 = arith.constant 1.000000e+00 : f32
      %parallel_loop3A_126 = vector.broadcast %parallel_loop3A_125 : f32 to vector<16xf32>
      %parallel_loop3A_127 = arith.addf %parallel_loop3A_124, %parallel_loop3A_126 : vector<16xf32>
      %parallel_loop3A_128 = arith.divf %mul3A_28, %parallel_loop3A_127 : vector<16xf32>
      %parallel_loop3A_129 = arith.subf %parallel_loop3A_114, %parallel_loop3A_128 : vector<16xf32>
      %parallel_loop3A_130 = arith.constant 3 : i32
      %parallel_loop3A_131 = vector.broadcast %parallel_loop3A_130 : i32 to vector<16xi32>
      %parallel_loop3A_132 = arith.addi %parallel_loop3A_79, %parallel_loop3A_131 : vector<16xi32>
      %parallel_loop3A_133 = tpu.vector_load_idx %arg7[%parallel_loop3A_132] : memref<80000xf32, #tpu.memory_space<vmem>>[vector<16xi32>], vector<16xf32>,
      %parallel_loop3A_134 = arith.constant 7 : i32
      %parallel_loop3A_135 = vector.broadcast %parallel_loop3A_134 : i32 to vector<16xi32>
      %parallel_loop3A_136 = arith.addi %parallel_loop3A_84, %parallel_loop3A_135 : vector<16xi32>
      %parallel_loop3A_137 = tpu.vector_load_idx %arg7[%parallel_loop3A_136] : memref<80000xf32, #tpu.memory_space<vmem>>[vector<16xi32>], vector<16xf32>,
      %parallel_loop3A_138 = arith.addf %parallel_loop3A_133, %parallel_loop3A_137 : vector<16xf32>
      %parallel_loop3A_139 = math.exp %parallel_loop3A_138 : vector<16xf32>
      %parallel_loop3A_140 = arith.constant 1.000000e+00 : f32
      %parallel_loop3A_141 = vector.broadcast %parallel_loop3A_140 : f32 to vector<16xf32>
      %parallel_loop3A_142 = arith.addf %parallel_loop3A_139, %parallel_loop3A_141 : vector<16xf32>
      %parallel_loop3A_143 = arith.divf %mul3A_31, %parallel_loop3A_142 : vector<16xf32>
      %parallel_loop3A_144 = arith.subf %parallel_loop3A_129, %parallel_loop3A_143 : vector<16xf32>
      %parallel_loop3A_145 = arith.index_cast %parallel_loop3A_74 : i32 to index
      %parallel_loop3A_146 = tpu.vector_load %arg12[%parallel_loop3A_145] {strides = array<i32>} : memref<6400xf32, #tpu.memory_space<vmem>>, vector<16xf32>,
      tpu.vector_store %arg12[%parallel_loop3A_145], %parallel_loop3A_144 {strides = array<i32>} : memref<6400xf32, #tpu.memory_space<vmem>>, vector<16xf32>,
    } {sc.loop_unroll_factor = 8 : i64, sc.parallel_access}
    %dma_start3A_58 = tpu.memref_slice %arg6[%arg1, %add3A_47] : memref<16x320000xf32, #tpu.memory_space<hbm>> -> memref<1x6400xf32, #tpu.memory_space<hbm>>
    %dma_start3A_59 = tpu.memref_squeeze %dma_start3A_58 : memref<1x6400xf32, #tpu.memory_space<hbm>> -> memref<6400xf32, #tpu.memory_space<hbm>>
    %dma_start3A_60 = tpu.memref_slice %arg6[%arg1, %add3A_47] : memref<16x320000xf32, #tpu.memory_space<hbm>> -> memref<1x6400xf32, #tpu.memory_space<hbm>>
    %dma_start3A_61 = tpu.memref_squeeze %dma_start3A_60 : memref<1x6400xf32, #tpu.memory_space<hbm>> -> memref<6400xf32, #tpu.memory_space<hbm>>
    tpu.enqueue_dma source(%arg12 : memref<6400xf32, #tpu.memory_space<vmem>>) target(%dma_start3A_61 : memref<6400xf32, #tpu.memory_space<hbm>>) target_semaphore(%arg17 : memref<!tpu.dma_semaphore, #tpu.memory_space<semaphore_mem>>)
    %sub3A_62 = arith.constant 6400 : i32
    %sub3A_63 = arith.subi %add3A_47, %sub3A_62 : i32
    %dma_wait3A_64 = tpu.memref_slice %arg6[%arg1, %sub3A_63] : memref<16x320000xf32, #tpu.memory_space<hbm>> -> memref<1x6400xf32, #tpu.memory_space<hbm>>
    %dma_wait3A_65 = tpu.memref_squeeze %dma_wait3A_64 : memref<1x6400xf32, #tpu.memory_space<hbm>> -> memref<6400xf32, #tpu.memory_space<hbm>>
    %dma_wait3A_66 = tpu.memref_slice %arg6[%arg1, %sub3A_63] : memref<16x320000xf32, #tpu.memory_space<hbm>> -> memref<1x6400xf32, #tpu.memory_space<hbm>>
    %dma_wait3A_67 = tpu.memref_squeeze %dma_wait3A_66 : memref<1x6400xf32, #tpu.memory_space<hbm>> -> memref<6400xf32, #tpu.memory_space<hbm>>
    tpu.wait_dma2 semaphore(%arg18 : memref<!tpu.dma_semaphore, #tpu.memory_space<semaphore_mem>>) src(%arg13 : memref<6400xf32, #tpu.memory_space<vmem>>) dst(%dma_wait3A_67 : memref<6400xf32, #tpu.memory_space<hbm>>)
    %dma_wait3A_68 = tpu.memref_slice %arg6[%arg1, %add3A_47] : memref<16x320000xf32, #tpu.memory_space<hbm>> -> memref<1x6400xf32, #tpu.memory_space<hbm>>
    %dma_wait3A_69 = tpu.memref_squeeze %dma_wait3A_68 : memref<1x6400xf32, #tpu.memory_space<hbm>> -> memref<6400xf32, #tpu.memory_space<hbm>>
    %dma_wait3A_70 = tpu.memref_slice %arg6[%arg1, %add3A_47] : memref<16x320000xf32, #tpu.memory_space<hbm>> -> memref<1x6400xf32, #tpu.memory_space<hbm>>
    %dma_wait3A_71 = tpu.memref_squeeze %dma_wait3A_70 : memref<1x6400xf32, #tpu.memory_space<hbm>> -> memref<6400xf32, #tpu.memory_space<hbm>>
    tpu.wait_dma2 semaphore(%arg17 : memref<!tpu.dma_semaphore, #tpu.memory_space<semaphore_mem>>) src(%arg12 : memref<6400xf32, #tpu.memory_space<vmem>>) dst(%dma_wait3A_71 : memref<6400xf32, #tpu.memory_space<hbm>>)
    return
  }
}

module attributes {stable_mosaic.version = 14 : i64} {
  func.func @_proj_body(%arg0: memref<10000x128xf32, #tpu.memory_space<vmem>>, %arg1: memref<128x64xf32, #tpu.memory_space<vmem>>, %arg2: memref<128x64xf32, #tpu.memory_space<vmem>>, %arg3: memref<1x64xf32, #tpu.memory_space<vmem>>, %arg4: memref<10000x64xf32, #tpu.memory_space<vmem>>, %arg5: memref<10000x64xf32, #tpu.memory_space<vmem>>) attributes {dimension_semantics = [], scalar_prefetch = 0 : i64, scratch_operands = 0 : i64, tpu.core_type = #tpu.core_type<tc>} {
    %get3A = arith.constant 0 : index
    %get3A_0 = arith.constant 0 : index
    %get3A_1 = vector.load %arg0[%get3A, %get3A_0] : memref<10000x128xf32, #tpu.memory_space<vmem>>, vector<10000x128xf32>
    %get3A_2 = arith.constant 0 : index
    %get3A_3 = arith.constant 0 : index
    %get3A_4 = vector.load %arg1[%get3A_2, %get3A_3] : memref<128x64xf32, #tpu.memory_space<vmem>>, vector<128x64xf32>
    %dot_general3A = arith.constant dense<0.000000e+00> : vector<10000x64xf32>
    %dot_general3A_5 = tpu.matmul %get3A_1, %get3A_4, %dot_general3A {dimension_numbers = #tpu.dot_dimension_numbers<[1], [0], [0], [1], [0, 0, 1, 1], [], []>, transpose_lhs_hint = false} : vector<10000x128xf32>, vector<128x64xf32>, vector<10000x64xf32> -> vector<10000x64xf32>
    %get3A_6 = arith.constant 0 : index
    %get3A_7 = arith.constant 0 : index
    %get3A_8 = vector.load %arg3[%get3A_6, %get3A_7] : memref<1x64xf32, #tpu.memory_space<vmem>>, vector<1x64xf32>
    %add3A = vector.broadcast %get3A_8 : vector<1x64xf32> to vector<10000x64xf32>
    %add3A_9 = arith.addf %dot_general3A_5, %add3A : vector<10000x64xf32>
    %swap3A = arith.constant 0 : index
    %swap3A_10 = arith.constant 0 : index
    %swap3A_11 = vector.load %arg4[%swap3A, %swap3A_10] : memref<10000x64xf32, #tpu.memory_space<vmem>>, vector<10000x64xf32>
    tpu.vector_store %arg4[%swap3A, %swap3A_10], %add3A_9 {strides = array<i32>} : memref<10000x64xf32, #tpu.memory_space<vmem>>, vector<10000x64xf32>,
    %get3A_12 = arith.constant 0 : index
    %get3A_13 = arith.constant 0 : index
    %get3A_14 = vector.load %arg2[%get3A_12, %get3A_13] : memref<128x64xf32, #tpu.memory_space<vmem>>, vector<128x64xf32>
    %dot_general3A_15 = arith.constant dense<0.000000e+00> : vector<10000x64xf32>
    %dot_general3A_16 = tpu.matmul %get3A_1, %get3A_14, %dot_general3A_15 {dimension_numbers = #tpu.dot_dimension_numbers<[1], [0], [0], [1], [0, 0, 1, 1], [], []>, transpose_lhs_hint = false} : vector<10000x128xf32>, vector<128x64xf32>, vector<10000x64xf32> -> vector<10000x64xf32>
    %swap3A_17 = arith.constant 0 : index
    %swap3A_18 = arith.constant 0 : index
    %swap3A_19 = vector.load %arg5[%swap3A_17, %swap3A_18] : memref<10000x64xf32, #tpu.memory_space<vmem>>, vector<10000x64xf32>
    tpu.vector_store %arg5[%swap3A_17, %swap3A_18], %dot_general3A_16 {strides = array<i32>} : memref<10000x64xf32, #tpu.memory_space<vmem>>, vector<10000x64xf32>,
    return
  }
}

module attributes {stable_mosaic.version = 14 : i64} {
  func.func @_finish_body(%arg0: memref<16x2500x128xf32, #tpu.memory_space<vmem>>, %arg1: memref<1x1xf32, #tpu.memory_space<smem>>, %arg2: memref<2500x128xf32, #tpu.memory_space<vmem>>) attributes {dimension_semantics = [], scalar_prefetch = 0 : i64, scratch_operands = 0 : i64, tpu.core_type = #tpu.core_type<tc>} {
    %get3A = arith.constant 0 : index
    %get3A_0 = arith.constant 0 : index
    %get3A_1 = arith.constant 0 : index
    %get3A_2 = vector.load %arg0[%get3A, %get3A_0, %get3A_1] : memref<16x2500x128xf32, #tpu.memory_space<vmem>>, vector<16x2500x128xf32>
    %reduce_sum3A = arith.constant dense<0.000000e+00> : vector<2500x128xf32>
    %reduce_sum3A_3 = vector.multi_reduction <add>, %get3A_2, %reduce_sum3A [0] : vector<16x2500x128xf32> to vector<2500x128xf32>
    %get3A_4 = arith.constant 0 : index
    %get3A_5 = arith.constant 0 : index
    %get3A_6 = memref.load %arg1[%get3A_4, %get3A_5] : memref<1x1xf32, #tpu.memory_space<smem>>
    %add3A = vector.broadcast %get3A_6 : f32 to vector<2500x128xf32>
    %add3A_7 = arith.addf %reduce_sum3A_3, %add3A : vector<2500x128xf32>
    %logistic3A = arith.negf %add3A_7 : vector<2500x128xf32>
    %logistic3A_8 = math.exp %logistic3A : vector<2500x128xf32>
    %logistic3A_9 = arith.constant 1.000000e+00 : f32
    %logistic3A_10 = vector.broadcast %logistic3A_9 : f32 to vector<2500x128xf32>
    %logistic3A_11 = arith.addf %logistic3A_10, %logistic3A_8 : vector<2500x128xf32>
    %logistic3A_12 = arith.divf %logistic3A_10, %logistic3A_11 : vector<2500x128xf32>
    %swap3A = arith.constant 0 : index
    %swap3A_13 = arith.constant 0 : index
    %swap3A_14 = vector.load %arg2[%swap3A, %swap3A_13] : memref<2500x128xf32, #tpu.memory_space<vmem>>, vector<2500x128xf32>
    tpu.vector_store %arg2[%swap3A, %swap3A_13], %logistic3A_12 {strides = array<i32>} : memref<2500x128xf32, #tpu.memory_space<vmem>>, vector<2500x128xf32>,
    return
  }
}

</mosaic_0001>

<sc_bundles>
// kernel: kernel.5.cloned.1.call-start
scs
__scs_entry_jumppad:
0x0: {  	(pc) =	sbr.rel $0x88, $3  }
0x1: {  	(tag) =	ssettag $0x0;
	lr =	simm.s32 $0x1  }
0x2: {  	[smem:$0x3F9B] =	sst lr;
	_ =	strace $0xD0000000  }
0x3: {  	_ = 	snop  }
0x4: {  	_ = 	snop  }
0x5: {  	_ = 	snop  }
0x6: {  	_ = 	snop  }
0x7: {  	_ = 	snop  }
__scs_overlays_trampoline_lowered:
0x8: {  	[smem:$0x3FAA] =	sst s0  }
0x9: {  	[smem:$0x3FAB] =	sst s1  }
0xa: {  	[smem:$0x3FAC] =	sst s2  }
0xb: {  	[smem:$0x3FAD] =	sst s3  }
0xc: {  	[smem:$0x3FAE] =	sst s4  }
0xd: {  	[smem:$0x3FAF] =	sst s5  }
0xe: {  	[smem:$0x3FB0] =	sst s6  }
0xf: {  	[smem:$0x3FB1] =	sst s7  }
0x10: {  	[smem:$0x3FB2] =	sst s8  }
0x11: {  	[smem:$0x3FB3] =	sst s9;
	s0 =	simm.s32 @!p0 $0x0  }
0x12: {  	s1 =	sld [smem:$0x3F99];
	s0 =	simm.s32 @p0 $0x1  }
0x13: {  	[smem:$0x3FB4] =	sst s0;
	s0 =	simm.s32 @!p1 $0x0  }
0x14: {  	s2 =	sld [smem:$0x3F98];
	s0 =	simm.s32 @p1 $0x1  }
0x15: {  	[smem:$0x3FB5] =	sst s0;
	s0 =	simm.s32 @!p2 $0x0  }
0x16: {  	s3 =	sld [smem:$0x3FDB];
	s0 =	simm.s32 @p2 $0x1  }
0x17: {  	s4 =	simm.s32 $0x1BF5;
	[smem:$0x3FB7] =	sst s0  }
0x18: {  	s0 =	sld [smem:$0x3F9A];
	_ =	swait.ge [sflag:s4], $0x0  }
0x19: {  	s7 =	sld [smem:$0x3F9B]  }
0x1a: {  	s8 =	sadd.s32 $0xFFFFE003, lr  }
0x1b: {  	s9 =	sadd.s32 $0xFFFFFEF7, lr;
	s5 =	simm.s32 $0xFFFFFFFF;
	p2 =	slt.u32 s8, $0xFFFFF086  }
0x1c: {  	p1 =	slt.u32 s9, $0xF7A;
	s5 =	simm.s32 @!p2 $0x0  }
0x1d: {  	s5 =	simm.s32 @p1 $0x1;
	p0 =	seq.s32 s7, s2  }
0x1e: {  	s7 =	smul.u32 @!p0 $0xF7A, s2;
	p2 =	seq.s32 @!p0 s5, $0x0  }
0x1f: {  	s9 =	smul.u32 $0xF7A, s1;
	s8 =	simm.s32 @!p0 $0x1BF5;
	p2 =	por !p2, p0  }
0x20: {  	[sflag:s8] =	ssyncset.s32 @!p0 $0xFFFFF086;
	s6 =	sadd.s32 @!p0 s3, s7;
	s7 =	simm.s32 @!p0 $0x108  }
0x21: {  	s3 =	sadd.s32 s3, s9;
	s6 =	sadd.s32 @!p0 $0x88, s6;
	s7 =	simm.s32 @p2 $0x1082  }
0x22: {  	[simem:s7], [sflag:s8] =	dma.local @!p0 [hbm:s6], $0xF7A  }
0x23: {  	s9 =	sor.u32 $0xD0000000, s2;
	s6 =	simm.s32 $0x108;
	_ =	swait.ge @!p0 [sflag:s8], $0x0  }
0x24: {  	s3 =	sadd.s32 $0x88, s3;
	s6 =	simm.s32 @!p1 $0x1082;
	[sflag:s4] =	ssyncset.s32 $0xFFFFF086  }
0x25: {  	[simem:s6], [sflag:s4] =	dma.local [hbm:s3], $0xF7A  }
0x26: {  	[smem:$0x3F9B] =	sst s1;
	(tag) =	ssettag s2;
	_ =	strace s9  }
0x27: {  	s1 =	sld [smem:$0x3FAB]  }
0x28: {  	s2 =	sld [smem:$0x3FAC]  }
0x29: {  	s4 =	sld [smem:$0x3FAE]  }
0x2a: {  	p0 =	seq.s32 s5, $0x0;
	s5 =	sld [smem:$0x3FAF]  }
0x2b: {  	s6 =	sld [smem:$0x3FB0]  }
0x2c: {  	s7 =	sld [smem:$0x3FB1]  }
0x2d: {  	s3 =	simm.s32 $0x108;
	s8 =	sld [smem:$0x3FB2]  }
0x2e: {  	s3 =	simm.s32 @!p0 $0x1082;
	s9 =	sld [smem:$0x3FB3]  }
0x2f: {  	lr =	sadd.s32 s0, s3;
	s0 =	sld [smem:$0x3FAA]  }
0x30: {  	s3 =	sld [smem:$0x3FAD]  }
0x31: {  	[smem:$0x3FB6] =	sst s10  }
0x32: {  	s10 =	sld [smem:$0x3FB4];
	_ =	sdelay $0x3  }
0x33: {  	p0 =	seq.s32 s10, $0x1;
	s10 =	sld [smem:$0x3FB6];
	_ =	sdelay $0x3  }
0x34: {  	[smem:$0x3FB6] =	sst s10  }
0x35: {  	s10 =	sld [smem:$0x3FB5];
	_ =	sdelay $0x3  }
0x36: {  	p1 =	seq.s32 s10, $0x1;
	s10 =	sld [smem:$0x3FB6];
	_ =	sdelay $0x3  }
0x37: {  	[smem:$0x3FB6] =	sst s10  }
0x38: {  	s10 =	sld [smem:$0x3FB7]  }
0x39: {  	_ = 	snop;
	(pc) =	sbr.ind lr, $3  }
0x3a: {  	_ = 	snop  }
0x3b: {  	_ = 	snop  }
0x3c: {  	p2 =	seq.s32 s10, $0x1;
	s10 =	sld [smem:$0x3FB6]  }
0x3d: {  	_ =	shalt  }
0x3e: {  	_ =	shalt  }
0x3f: {  	_ =	shalt  }
0x40: {  	_ =	shalt  }
0x41: {  	_ =	shalt  }
0x42: {  	_ =	shalt  }
0x43: {  	_ =	shalt  }
0x44: {  	_ =	shalt  }
0x45: {  	_ =	shalt  }
0x46: {  	_ =	shalt  }
0x47: {  	_ =	shalt  }
0x48: {  	_ =	shalt  }
0x49: {  	_ =	shalt  }
0x4a: {  	_ =	shalt  }
0x4b: {  	_ =	shalt  }
0x4c: {  	_ =	shalt  }
0x4d: {  	_ =	shalt  }
0x4e: {  	_ =	shalt  }
0x4f: {  	_ =	shalt  }
0x50: {  	_ =	shalt  }
0x51: {  	_ =	shalt  }
0x52: {  	_ =	shalt  }
0x53: {  	_ =	shalt  }
0x54: {  	_ =	shalt  }
0x55: {  	_ =	shalt  }
0x56: {  	_ =	shalt  }
0x57: {  	_ =	shalt  }
0x58: {  	_ =	shalt  }
0x59: {  	_ =	shalt  }
0x5a: {  	_ =	shalt  }
0x5b: {  	_ =	shalt  }
0x5c: {  	_ =	shalt  }
0x5d: {  	_ =	shalt  }
0x5e: {  	_ =	shalt  }
0x5f: {  	_ =	shalt  }
0x60: {  	_ =	shalt  }
0x61: {  	_ =	shalt  }
0x62: {  	_ =	shalt  }
0x63: {  	_ =	shalt  }
0x64: {  	_ =	shalt  }
0x65: {  	_ =	shalt  }
0x66: {  	_ =	shalt  }
0x67: {  	_ =	shalt  }
0x68: {  	_ =	shalt  }
0x69: {  	_ =	shalt  }
0x6a: {  	_ =	shalt  }
0x6b: {  	_ =	shalt  }
0x6c: {  	_ =	shalt  }
0x6d: {  	_ =	shalt  }
0x6e: {  	_ =	shalt  }
0x6f: {  	_ =	shalt  }
0x70: {  	_ =	shalt  }
0x71: {  	_ =	shalt  }
0x72: {  	_ =	shalt  }
0x73: {  	_ =	shalt  }
0x74: {  	_ =	shalt  }
0x75: {  	_ =	shalt  }
0x76: {  	_ =	shalt  }
0x77: {  	_ =	shalt  }
0x78: {  	_ =	shalt  }
0x79: {  	_ =	shalt  }
0x7a: {  	_ =	shalt  }
0x7b: {  	_ =	shalt  }
0x7c: {  	_ =	shalt  }
0x7d: {  	_ =	shalt  }
0x7e: {  	_ =	shalt  }
0x7f: {  	_ =	shalt  }
0x80: {  	_ =	shalt  }
0x81: {  	_ =	shalt  }
0x82: {  	_ =	shalt  }
0x83: {  	_ =	shalt  }
0x84: {  	_ =	shalt  }
0x85: {  	_ =	shalt  }
0x86: {  	_ =	shalt  }
0x87: {  	_ =	shalt  }
.Lfunc_end0:
.L_simem_size_0:
called_computation_lowered:
.L_overlay_start_0:
0x88: {  	s2 =	sld [smem:$0x3FD9]  }
0x89: {  	s3 =	sld [smem:$0x3FFE];
	_ =	sdelay $0x1  }
0x8a: {  	s1 =	srdreg.scid  }
0x8b: {  	s0 =	sand.u32 $0x1, s1  }
0x8c: {  	s17 =	sshll.u32 s0, $0xA;
	s2 =	sadd.s32 s3, s2  }
0x8d: {  	s2 =	sadd.s32 s2, s17  }
0x8e: {  	[smem:$0x3FC2] =	sst s2  }
0x8f: {  	_ = 	snop  }
0x90: {  	s2 =	sld [smem:$0x3FD0];
	(tm) =	ssettm $0x1  }
0x91: {  	s18 =	sld [smem:$0x3FFB];
	_ =	sdelay $0x3  }
0x92: {  	_ =	strace s18  }
0x93: {  	s3 =	sld [smem:$0x3FFC];
	_ =	sdelay $0x3  }
0x94: {  	_ =	strace s3  }
0x95: {  	s3 =	sld [smem:$0x3FFD];
	_ =	sdelay $0x3  }
0x96: {  	_ =	strace s3  }
0x97: {  	_ =	strace $0x8FFFFFFF  }
0x98: {  	s19 =	sld [smem:$0x3FDB];
	_ =	sdelay $0x1  }
0x99: {  	s4 =	simm.s32 $_scs_section_size  }
0x9a: {  	s5 =	simm.s32 $_size__tile_overlayer_lowered;
	s6 =	simm.s32 $_tile_overlayer_lowered  }
0x9b: {  	s22 =	simm.s32 $0x1BFF;
	s21 =	sshll.u32 s6, $0x1;
	s3 =	sadd.s32 s4, s19  }
0x9c: {  	s7 =	simm.s32 $0x0;
	s20 =	sshll.u32 s5, $0x1;
	s5 =	sadd.s32 s21, s3  }
0x9d: {  	[timem:s7], [sflag:s22] =	dma.local [hbm:s5], s20  }
0x9e: {  	_ =	swait.ge [sflag:s22], s20  }
0x9f: {  	s4 =	ssub.s32 $0x0, s20;
	[sflag:s22] =	ssyncset.done $0x0  }
0xa0: {  	[sflag:s22] =	ssyncadd.s32 s4;
	_ =	sdelay $0x1  }
0xa1: {  	s23 =	simm.s32 $0x1B8B  }
0xa2: {  	_ =	swait.ge [sflag:s23], $0x1  }
0xa3: {  	[sflag:s23] =	ssyncset.done $0x0  }
0xa4: {  	s25 =	simm.s32 $0x1B8E;
	s24 =	sld [smem:$0x3FFE];
	[sflag:s23] =	ssyncadd.s32 $0xFFFFFFFF  }
0xa5: {  	s26 =	simm.s32 $execute0_lowered;
	[smem:$0x3FD2] =	sst s25  }
0xa6: {  	s5 =	sshll.u32 s26, $0x1;
	_ =	strace $0x80000046;
	[dreg:$0x1] =	wrdreg $0xFFFFFFFF  }
0xa7: {  	s28 =	simm.s32 $_size_execute0_lowered;
	s3 =	sadd.s32 s3, s5;
	[dreg:$0x0] =	wrdreg $0x0  }
0xa8: {  	s5 =	sshll.u32 s28, $0x1;
	[dreg:$0x2] =	wrdreg s3  }
0xa9: {  	[dreg:$0x3] =	wrdreg s5  }
0xaa: {  	[dreg:$0x4] =	wrdreg $0xC0  }
0xab: {  	_ =	task [dreg:s7], $0x5FFFF  }
0xac: {  	[dreg:$0x1] =	wrdreg $0xFFFFFFFF  }
0xad: {  	[dreg:$0x0] =	wrdreg $0x60  }
0xae: {  	[dreg:$0x2] =	wrdreg s24  }
0xaf: {  	[dreg:$0x3] =	wrdreg s2  }
0xb0: {  	[dreg:$0x4] =	wrdreg $0x9  }
0xb1: {  	_ =	task.clear_ibuf [dreg:s7], $0x5FFFF;
	_ =	strace $0x90000046  }
0xb2: {  	s29 =	simm.s32 $0x9;
	_ =	strace $0x80000048  }
0xb3: {  	_ =	swait.ge [sflag:s29], $0x1  }
0xb4: {  	[sflag:s29] =	ssyncadd.s32 $0xFFFFFFFF  }
0xb5: {  	_ =	strace $0x90000048  }
0xb6: {  	_ =	sfence  }
0xb7: {  	s30 =	sld [smem:$0x0];
	_ =	sdelay $0x2  }
0xb8: {  	s31 =	sshll.u32 s1, $0xD;
	s1 =	sshrl.u32 s1, $0x2  }
0xb9: {  	s3 =	sand.u32 $0x4000, s31;
	s1 =	sadd.s32 s1, s30  }
0xba: {  	s0 =	sor.u32 s3, s0;
	s1 =	sshll.u32 s1, $0x11  }
0xbb: {  	s0 =	sor.u32 s1, s0  }
0xbc: {  	s0 =	sadd.s32 $0x8F2B, s0  }
0xbd: {  	[sflag:s0] =	ssyncadd.remote.s32 $0x1  }
0xbe: {  	_ =	sfence.sel $0xFFFF  }
0xbf: {  	[dreg:$0x0] =	wrdreg $0xFFFFFFFF;
	(pc) =	sbr.abs _section_cstart, $3  }
0xc0: {  	[dreg:$0x1] =	wrdreg $0xFFFFFFFF  }
0xc1: {  	_ =	task.clear_ibuf [dreg:s7], $0x2FFFF;
	_ =	strace $0x9FFFFFFF  }
0xc2: {  	(tm) =	ssettm $0x7FFFFFFF  }
0xc3: {  	_ =	shalt  }
tec
execute0_lowered:
.L_overlay_start_1:
0x0: {  	(tag) =	ssettag $0x1  }
0x1: {  	s10 =	stileid.u32;
	s0 =	rddreg [dreg:$0x0];
	s3 =	simm.s32 $0x0  }
0x2: {  	s5 =	srdreg.scid;
	s13 =	simm.s32 $0x80;
	s14 =	simm.s32 $0x400  }
0x3: {  	s15 =	simm.s32 $0x5;
	s16 =	simm.s32 $0x1CE80;
	s17 =	simm.s32 $0x13880  }
0x4: {  	s18 =	simm.s32 $0x15180;
	s20 =	simm.s32 $0x18380;
	s21 =	simm.s32 $0x1  }
0x5: {  	s23 =	simm.s32 $0x2;
	s24 =	simm.s32 $0x1B580;
	s28 =	simm.s32 $0x0  }
0x6: {  	s1 =	sshrl.u32 s10, $0x3;
	s2 =	sshll.u32 s10, $0x7;
	[smem:$0x7FF] =	sst s3  }
0x7: {  	s6 =	sand.u32 $0x1, s5;
	s5 =	sadd.s32 $0xA00, s0;
	s19 =	sshll.u32 s10, $0x2  }
0x8: {  	s25 =	sshllo.u32 s10, $0x2;
	s4 =	smul.u32 $0x9C400, s1;
	s2 =	sand.u32 $0x380, s2  }
0x9: {  	_ =	strace $0x80000047;
	s8 =	ssub.s32 $0x2, s6;
	s1 =	smul.u32 $0x271000, s1  }
0xa: {  	s26 =	smul.u32 $0x138800, s6;
	s29 =	sor.u32 $0x1, s19;
	s22 =	sor.u32 $0x2, s19  }
0xb: {  	v0 =	vmov s19;
	s19 =	simm.s32 $0x16A80;
	v63 =	vmov s25;
	s25 =	simm.s32 $0x3;
	s4 =	sor.u32 s2, s4  }
0xc: {  	s9 =	sshrl.u32 s8, $0x1;
	v2 =	vmov s22;
	s22 =	simm.s32 $0x19C80;
	s4 =	sshrl.u32 s4, $0x3  }
0xd: {  	s8 =	ssub.s32 s8, s9;
	s9 =	sadd.s32 s1, s26;
	s7 =	sadd.s32 s4, s0  }
0xe: {  	s1 =	sor.u32 s2, s1;
	s26 =	simm.s32 $0x4;
	s7 =	sadd.s32 $0x139200, s7  }
0xf: {  	v0 =	vbroadcast v0, $0x0;
	v1 =	vmov s29;
	s9 =	sor.u32 s2, s9;
	[dreg:$0x3] =	wrdreg s7;
	s7 =	smul.u32 $0x27100, s6  }
0x10: {  	[tilespmem:$0x1FFF0] =	vst v63;
	v61 =	vbroadcast v1, $0x0;
	s1 =	sshrl.u32 s1, $0x3;
	s4 =	sadd.s32 $0xA800, s0;
	s31 =	sadd.s32 $0x12C000, s9  }
0x11: {  	v62 =	vbroadcast v2, $0x0;
	[tilespmem:$0x1FFC0] =	vst v0;
	s0 =	sadd.s32 $0x14600, s0;
	s2 =	sshrl.u32 s31, $0x3;
	s30 =	sshrl.u32 s7, $0x3  }
0x12: {  	[tilespmem:$0x1FFD0] =	vst v61;
	s12 =	sadd.s32 s0, s1;
	s10 =	sadd.s32 s0, s2;
	s11 =	sadd.s32 s4, s30  }
0x13: {  	[tilespmem:$0x1FFE0] =	vst v62;
	s9 =	sadd.s32 s5, s30;
	[dreg:$0x4] =	wrdreg s11;
	s11 =	smax.u32 s8, $0x1  }
.LBB2_1:
0x14: {  	s0 =	rddreg [dreg:$0x3]  }
0x15: {  	[tilespmem:s3], [sflag:$0x5] =	stream.strided.gather [hbm4b:s0+s13], $0x13880, s14, s13, $0x38;
	[tilespmem:$0x1CF00] =	vst v63  }
0x16: {  	_ =	swait.ge [sflag:s15], $0x13880  }
0x17: {  	[sflag:s15] =	ssyncset.done $0x0  }
0x18: {  	[sflag:s15] =	ssyncadd.s32 $0xFFFEC780  }
0x19: {  	s30 =	rddreg [dreg:$0x1]  }
0x1a: {  	[tilespmem:s16], [sflag:$0x5] =	stream.linear.gather [hbm4b:s30+s3], $0x80, $0x38;
	[tilespmem:$0x1CF00] =	vst v63  }
0x1b: {  	_ =	swait.ge [sflag:s15], $0x80  }
0x1c: {  	v0 =	vld [tilespmem:$0x1FFC0]  }
0x1d: {  	v56 =	vld [tilespmem:$0x1FFD0];
	_ =	sdelay $0x1  }
0x1e: {  	v57 =	vld [tilespmem:$0x1FFE0]  }
0x1f: {  	v58 =	vld [tilespmem:$0x1FFF0];
	_ =	sdelay $0x1  }
0x20: {  	[sflag:s15] =	ssyncset.done $0x0  }
0x21: {  	[sflag:s15] =	ssyncadd.s32 $0xFFFFFF80  }
0x22: {  	v4 =	vld.idx.msk [tilespmem:v0+s16+$0x0], $0xffff  }
0x23: {  	v5 =	vld.idx.msk [tilespmem:v56+s16+$0x0], $0xffff;
	_ =	sdelay $0x1  }
0x24: {  	v8 =	vld.idx.msk [tilespmem:v57+s16+$0x0], $0xffff  }
0x25: {  	s31 =	rddreg [dreg:$0x4];
	v9 =	vld.idx.msk [tilespmem:v58+s16+$0x0], $0xffff  }
0x26: {  	[tilespmem:s17], [sflag:$0x1] =	stream.linear.gather [hbm4b:s31+s3], $0x1900, $0x38;
	[tilespmem:$0x1CF00] =	vst v63  }
0x27: {  	v7 =	vadd.f32 v5, v4;
	v59 =	vadd.f32 v4, v4  }
0x28: {  	[tilespmem:s18], [sflag:$0x1] =	stream.linear.gather [hbm4b:s9+s3], $0x1900, $0x38;
	v60 =	vadd.f32 v5, v5;
	[tilespmem:$0x1CF00] =	vst v63  }
0x29: {  	v61 =	vadd.f32 v8, v8;
	[tilespmem:$0x1FF70] =	vst v59;
	v10 =	vadd.f32 v8, v7  }
0x2a: {  	v62 =	vadd.f32 v9, v9;
	[tilespmem:$0x1FF80] =	vst v60  }
0x2b: {  	[tilespmem:$0x1FF90] =	vst v61;
	v63 =	vadd.f32 v9, v10  }
0x2c: {  	[tilespmem:$0x1FFA0] =	vst v62  }
0x2d: {  	s29 =	simm.s32 $0x0;
	[tilespmem:$0x1FFB0] =	vst v63  }
.LBB2_2:
0x2e: {  	s0 =	smul.u32 $0x3200, s29;
	_ =	sdelay $0x1  }
0x2f: {  	s31 =	sadd.s32 s7, s0  }
0x30: {  	s30 =	sadd.s32 $0x1900, s31  }
0x31: {  	s6 =	sshrl.u32 s30, $0x3  }
0x32: {  	s1 =	sadd.s32 s4, s6  }
0x33: {  	[tilespmem:s19], [sflag:$0x2] =	stream.linear.gather [hbm4b:s1+s3], $0x1900, $0x38;
	[tilespmem:$0x1CF00] =	vst v63  }
0x34: {  	s0 =	sadd.s32 s5, s6  }
0x35: {  	[tilespmem:s20], [sflag:$0x2] =	stream.linear.gather [hbm4b:s0+s3], $0x1900, $0x38;
	[tilespmem:$0x1CF00] =	vst v63  }
0x36: {  	_ =	swait.ge [sflag:s21], $0x1900  }
0x37: {  	[sflag:s21] =	ssyncset.done $0x0  }
0x38: {  	[sflag:s21] =	ssyncadd.s32 $0xFFFFE700  }
0x39: {  	_ =	swait.ge [sflag:s21], $0x1900  }
0x3a: {  	p0 =	seq.s32 s29, $0x0;
	[sflag:s21] =	ssyncset.done $0x0  }
0x3b: {  	s0 =	simm.s32 @!p0 $0x3;
	[sflag:s21] =	ssyncadd.s32 $0xFFFFE700  }
0x3c: {  	_ =	swait.ge @!p0 [sflag:s0], $0x1900  }
0x3d: {  	[sflag:s0] =	ssyncset.done @!p0 $0x0  }
0x3e: {  	s8 =	simm.s32 $0x138C0;
	v3 =	vld [tilespmem:$0x1FFA0];
	[sflag:s0] =	ssyncadd.s32 @!p0 $0xFFFFE700  }
0x3f: {  	s1 =	simm.s32 $0x151C0;
	v9 =	vld [tilespmem:s8+$0x30]  }
0x40: {  	v10 =	vld [tilespmem:s1+$0x30]  }
0x41: {  	v11 =	vld [tilespmem:s1+$0xFFFFFFC0]  }
0x42: {  	v12 =	vld [tilespmem:s1+$0xFFFFFFD0]  }
0x43: {  	v13 =	vld [tilespmem:s1+$0xFFFFFFE0]  }
0x44: {  	v22 =	vld [tilespmem:s8+$0xFFFFFFE0]  }
0x45: {  	v14 =	vld [tilespmem:s1+$0xFFFFFFF0]  }
0x46: {  	v15 =	vld [tilespmem:s1+$0x0]  }
0x47: {  	v16 =	vld [tilespmem:s1+$0x10]  }
0x48: {  	v18 =	vld [tilespmem:s1+$0x20];
	v9 =	vshll.u32 v9, $0x3  }
0x49: {  	v20 =	vld [tilespmem:s8+$0xFFFFFFD0];
	v10 =	vshll.u32 v10, $0x3;
	v22 =	vshll.u32 v22, $0x3  }
0x4a: {  	v46 =	vld [tilespmem:s8+$0xFFFFFFF0];
	v17 =	vor.u32 $0x4, v10  }
0x4b: {  	v49 =	vld [tilespmem:s8+$0x0];
	v19 =	vor.u32 $0x1, v9  }
0x4c: {  	v50 =	vld [tilespmem:s8+$0x20];
	v21 =	vor.u32 $0x5, v10  }
0x4d: {  	v23 =	vor.u32 $0x2, v9;
	v24 =	vld.idx.msk [tilespmem:v9+s3+$0x0], $0xffff  }
0x4e: {  	v25 =	vor.u32 $0x6, v10;
	v60 =	vld.idx.msk [tilespmem:v22+s3+$0x0], $0xffff  }
0x4f: {  	v11 =	vshll.u32 v11, $0x3;
	v32 =	vshll.u32 v12, $0x3;
	v10 =	vor.u32 $0x7, v10;
	v12 =	vld.idx.msk [tilespmem:v17+s3+$0x0], $0xffff  }
0x50: {  	v35 =	vshll.u32 v13, $0x3;
	v14 =	vshll.u32 v14, $0x3;
	v27 =	vor.u32 $0x4, v11;
	v13 =	vld.idx.msk [tilespmem:v19+s3+$0x0], $0xffff  }
0x51: {  	v15 =	vshll.u32 v15, $0x3;
	v33 =	vor.u32 $0x4, v14;
	v21 =	vld.idx.msk [tilespmem:v21+s3+$0x0], $0xffff  }
0x52: {  	v16 =	vshll.u32 v16, $0x3;
	v36 =	vor.u32 $0x4, v15;
	v23 =	vld.idx.msk [tilespmem:v23+s3+$0x0], $0xffff  }
0x53: {  	v38 =	vshll.u32 v18, $0x3;
	v18 =	vshll.u32 v20, $0x3;
	v37 =	vor.u32 $0x4, v16;
	v20 =	vld.idx.msk [tilespmem:v25+s3+$0x0], $0xffff  }
0x54: {  	v40 =	vor.u32 $0x4, v38;
	v10 =	vld.idx.msk [tilespmem:v10+s3+$0x0], $0xffff  }
0x55: {  	v39 =	vor.u32 $0x5, v11;
	v51 =	vld.idx.msk [tilespmem:v27+s3+$0x0], $0xffff  }
0x56: {  	v41 =	vor.u32 $0x1, v18;
	v53 =	vld.idx.msk [tilespmem:v33+s3+$0x0], $0xffff  }
0x57: {  	v42 =	vor.u32 $0x5, v32;
	v36 =	vld.idx.msk [tilespmem:v36+s3+$0x0], $0xffff  }
0x58: {  	v29 =	vor.u32 $0x2, v22;
	v37 =	vld.idx.msk [tilespmem:v37+s3+$0x0], $0xffff  }
0x59: {  	v28 =	vor.u32 $0x6, v35;
	v40 =	vld.idx.msk [tilespmem:v40+s3+$0x0], $0xffff  }
0x5a: {  	v9 =	vor.u32 $0x3, v9;
	v39 =	vld.idx.msk [tilespmem:v39+s3+$0x0], $0xffff  }
0x5b: {  	v41 =	vld.idx.msk [tilespmem:v41+s3+$0x0], $0xffff  }
0x5c: {  	v34 =	vor.u32 $0x5, v38;
	v42 =	vld.idx.msk [tilespmem:v42+s3+$0x0], $0xffff  }
0x5d: {  	v30 =	vor.u32 $0x6, v11;
	v29 =	vld.idx.msk [tilespmem:v29+s3+$0x0], $0xffff  }
0x5e: {  	v31 =	vor.u32 $0x2, v18;
	v28 =	vld.idx.msk [tilespmem:v28+s3+$0x0], $0xffff  }
0x5f: {  	v50 =	vshll.u32 v50, $0x3;
	v43 =	vor.u32 $0x1, v22;
	v9 =	vld.idx.msk [tilespmem:v9+s3+$0x0], $0xffff;
	v12 =	vadd.f32 v12, v24  }
0x60: {  	v44 =	vor.u32 $0x5, v35;
	v19 =	vor.u32 $0x4, v35;
	v20 =	vadd.f32 v20, v23;
	v23 =	vld [tilespmem:s8+$0xFFFFFFC0]  }
0x61: {  	v17 =	vor.u32 $0x4, v32;
	v34 =	vld.idx.msk [tilespmem:v34+s3+$0x0], $0xffff;
	v13 =	vadd.f32 v21, v13;
	v24 =	vmul.f32 $1.442695020e+00, v12  }
0x62: {  	v45 =	vor.u32 $0x5, v14;
	v47 =	vor.u32 $0x5, v15;
	v26 =	vor.u32 $0x6, v14;
	v30 =	vld.idx.msk [tilespmem:v30+s3+$0x0], $0xffff  }
0x63: {  	v31 =	vld.idx.msk [tilespmem:v31+s3+$0x0], $0xffff;
	v28 =	vadd.f32 v28, v29;
	v13 =	vmul.f32 $1.442695020e+00, v13;
	(erf) = vpow2.f32 v24  }
0x64: {  	v21 =	vld [tilespmem:s8+$0x10];
	v9 =	vadd.f32 v10, v9;
	v10 =	vmul.f32 $1.442695020e+00, v20;
	v20 =	vor.u32 $0x6, v38  }
0x65: {  	v19 =	vld.idx.msk [tilespmem:v19+s3+$0x0], $0xffff;
	v12 =	vor.u32 $0x6, v32;
	(erf) = vpow2.f32 v13;
	v23 =	vshll.u32 v23, $0x3  }
0x66: {  	v52 =	vld.idx.msk [tilespmem:v17+s3+$0x0], $0xffff;
	v13 =	vor.u32 $0x7, v11;
	v11 =	vor.u32 $0x3, v18;
	v17 =	vmul.f32 $1.442695020e+00, v9  }
0x67: {  	v26 =	vld.idx.msk [tilespmem:v26+s3+$0x0], $0xffff;
	(erf) = vpow2.f32 v10;
	v9 =	vor.u32 $0x7, v32;
	v32 =	vor.u32 $0x2, v50  }
0x68: {  	v48 =	vor.u32 $0x5, v16;
	v25 =	vor.u32 $0x6, v15;
	v18 =	vld.idx.msk [tilespmem:v18+s3+$0x0], $0xffff;
	(erf) = vpow2.f32 v17  }
0x69: {  	v28 =	vmul.f32 $1.442695020e+00, v28;
	v24 =	vor.u32 $0x6, v16;
	v17 =	vshll.u32 v46, $0x3;
	v20 =	vld.idx.msk [tilespmem:v20+s3+$0x0], $0xffff  }
0x6a: {  	v19 =	vadd.f32 v19, v60;
	v10 =	vor.u32 $0x3, v22;
	v46 =	vshll.u32 v49, $0x3;
	v63 =	vld.idx.msk [tilespmem:v23+s3+$0x0], $0xffff  }
0x6b: {  	v57 =	vor.u32 $0x1, v23;
	v58 =	vor.u32 $0x2, v23;
	v49 =	vshll.u32 v21, $0x3;
	v11 =	vld.idx.msk [tilespmem:v11+s3+$0x0], $0xffff  }
0x6c: {  	v27 =	vor.u32 $0x3, v23;
	v22 =	vor.u32 $0x7, v35;
	v54 =	vor.u32 $0x1, v17;
	v32 =	vld.idx.msk [tilespmem:v32+s3+$0x0], $0xffff  }
0x6d: {  	v55 =	vor.u32 $0x1, v46;
	v61 =	vor.u32 $0x2, v17;
	v18 =	vadd.f32 v52, v18;
	v9 =	vld.idx.msk [tilespmem:v9+s3+$0x0], $0xffff;
	v21 =	vpop (erf)  }
0x6e: {  	v62 =	vor.u32 $0x2, v46;
	v23 =	vor.u32 $0x3, v17;
	v0 =	vld.idx.msk [tilespmem:v17+s3+$0x0], $0xffff;
	v21 =	vadd.f32 $1.000000000e+00, v21;
	v6 =	vpop (erf)  }
0x6f: {  	v1 =	vld.idx.msk [tilespmem:v46+s3+$0x0], $0xffff;
	v17 =	vor.u32 $0x3, v46;
	v35 =	vadd.f32 $1.000000000e+00, v6;
	v6 =	vmul.f32 $1.442695020e+00, v18  }
0x70: {  	v46 =	vld.idx.msk [tilespmem:v49+s3+$0x0], $0xffff;
	(erf) = vrcp.f32 v21;
	v21 =	vor.u32 $0x7, v14;
	v14 =	vor.u32 $0x7, v15;
	v15 =	vpop (erf)  }
0x71: {  	v18 =	vor.u32 $0x7, v16;
	v16 =	vor.u32 $0x7, v38;
	v38 =	vld.idx.msk [tilespmem:v43+s3+$0x0], $0xffff;
	v2 =	vadd.f32 $1.000000000e+00, v15;
	v4 =	vpop (erf)  }
0x72: {  	v33 =	vmul.f32 $1.442695020e+00, v19;
	v43 =	vld.idx.msk [tilespmem:v45+s3+$0x0], $0xffff;
	(erf) = vrcp.f32 v35;
	v52 =	vadd.f32 $1.000000000e+00, v4  }
0x73: {  	v56 =	vor.u32 $0x1, v49;
	v5 =	vadd.f32 v51, v63;
	v35 =	vld.idx.msk [tilespmem:v50+s3+$0x0], $0xffff;
	(erf) = vrcp.f32 v2  }
0x74: {  	v7 =	vor.u32 $0x2, v49;
	v15 =	vor.u32 $0x3, v49;
	v49 =	vld.idx.msk [tilespmem:v57+s3+$0x0], $0xffff;
	(erf) = vrcp.f32 v52  }
0x75: {  	v59 =	vor.u32 $0x1, v50;
	v63 =	vld.idx.msk [tilespmem:v47+s3+$0x0], $0xffff;
	v2 =	vmul.f32 $1.442695020e+00, v5;
	(erf) = vpow2.f32 v6  }
0x76: {  	v60 =	vadd.f32 v42, v41;
	v0 =	vadd.f32 v53, v0;
	v5 =	vld [tilespmem:$0x1FF70];
	(erf) = vpow2.f32 v33  }
0x77: {  	v1 =	vadd.f32 v36, v1;
	v51 =	vadd.f32 v37, v46;
	v52 =	vld.idx.msk [tilespmem:v44+s3+$0x0], $0xffff;
	(erf) = vpow2.f32 v2  }
0x78: {  	v19 =	vor.u32 $0x3, v50;
	v0 =	vmul.f32 $1.442695020e+00, v0;
	v44 =	vld.idx.msk [tilespmem:v55+s3+$0x0], $0xffff;
	v35 =	vadd.f32 v40, v35  }
0x79: {  	v1 =	vmul.f32 $1.442695020e+00, v1;
	v36 =	vmul.f32 $1.442695020e+00, v51;
	v40 =	vld.idx.msk [tilespmem:v54+s3+$0x0], $0xffff;
	v39 =	vadd.f32 v39, v49  }
0x7a: {  	v20 =	vadd.f32 v20, v32;
	v6 =	vld [tilespmem:$0x1FF80];
	v35 =	vmul.f32 $1.442695020e+00, v35;
	(erf) = vpow2.f32 v0;
	v53 =	vpop (erf)  }
0x7b: {  	v9 =	vadd.f32 v9, v11;
	v33 =	vld [tilespmem:$0x1FFB0];
	v39 =	vmul.f32 $1.442695020e+00, v39;
	(erf) = vpow2.f32 v1;
	v57 =	vpop (erf)  }
0x7c: {  	v50 =	vld.idx.msk [tilespmem:v56+s3+$0x0], $0xffff;
	v37 =	vadd.f32 v52, v38;
	v1 =	vmul.f32 $1.442695020e+00, v60;
	(erf) = vpow2.f32 v36;
	v49 =	vpop (erf)  }
0x7d: {  	v51 =	vld.idx.msk [tilespmem:v48+s3+$0x0], $0xffff;
	v41 =	vadd.f32 v63, v44;
	v2 =	vmul.f32 v53, v5;
	(erf) = vpow2.f32 v35;
	v52 =	vpop (erf)  }
0x7e: {  	v4 =	vld [tilespmem:$0x1FF90];
	v37 =	vmul.f32 $1.442695020e+00, v37;
	v40 =	vadd.f32 v43, v40;
	(erf) = vpow2.f32 v39;
	v54 =	vpop (erf)  }
0x7f: {  	v53 =	vld.idx.msk [tilespmem:v59+s3+$0x0], $0xffff;
	v0 =	vmul.f32 v57, v6;
	(erf) = vpow2.f32 v1;
	v55 =	vpop (erf);
	v39 =	vadd.f32 $1.000000000e+00, v54  }
0x80: {  	v25 =	vld.idx.msk [tilespmem:v25+s3+$0x0], $0xffff;
	v2 =	vsub.f32 v33, v2;
	v40 =	vmul.f32 $1.442695020e+00, v40;
	(erf) = vpow2.f32 v37;
	v57 =	vpop (erf)  }
0x81: {  	v56 =	vld.idx.msk [tilespmem:v58+s3+$0x0], $0xffff;
	v59 =	vmul.f32 $1.442695020e+00, v41;
	v58 =	vadd.f32 $1.000000000e+00, v57;
	(erf) = vrcp.f32 v39  }
0x82: {  	v24 =	vld.idx.msk [tilespmem:v24+s3+$0x0], $0xffff;
	v0 =	vsub.f32 v2, v0;
	v2 =	vadd.f32 v51, v50;
	(erf) = vpow2.f32 v40  }
0x83: {  	v63 =	vld.idx.msk [tilespmem:v12+s3+$0x0], $0xffff;
	v36 =	vmul.f32 v49, v4;
	v1 =	vadd.f32 $1.000000000e+00, v55;
	v60 =	vpop (erf);
	(erf) = vrcp.f32 v58  }
0x84: {  	v10 =	vld.idx.msk [tilespmem:v10+s3+$0x0], $0xffff;
	v34 =	vadd.f32 v34, v53;
	v2 =	vmul.f32 $1.442695020e+00, v2;
	v44 =	vpop (erf);
	(erf) = vpow2.f32 v59  }
0x85: {  	v22 =	vld.idx.msk [tilespmem:v22+s3+$0x0], $0xffff;
	v35 =	vmul.f32 v52, v3;
	v45 =	vadd.f32 $1.000000000e+00, v60;
	v46 =	vpop (erf);
	(erf) = vrcp.f32 v1  }
0x86: {  	v17 =	vld.idx.msk [tilespmem:v17+s3+$0x0], $0xffff;
	v30 =	vadd.f32 v30, v56;
	v34 =	vmul.f32 $1.442695020e+00, v34;
	v47 =	vpop (erf);
	(erf) = vpow2.f32 v2  }
0x87: {  	v48 =	vld.idx.msk [tilespmem:v61+s3+$0x0], $0xffff;
	v0 =	vsub.f32 v0, v36;
	v49 =	vadd.f32 $1.000000000e+00, v44;
	v50 =	vpop (erf);
	(erf) = vrcp.f32 v45  }
0x88: {  	v14 =	vld.idx.msk [tilespmem:v14+s3+$0x0], $0xffff;
	v30 =	vmul.f32 $1.442695020e+00, v30;
	v31 =	vadd.f32 v63, v31;
	v52 =	vpop (erf);
	(erf) = vpow2.f32 v34  }
0x89: {  	v51 =	vld.idx.msk [tilespmem:v62+s3+$0x0], $0xffff;
	v12 =	vsub.f32 v0, v35;
	v35 =	vadd.f32 $1.000000000e+00, v46;
	v54 =	vpop (erf);
	(erf) = vrcp.f32 v49  }
0x8a: {  	v23 =	vld.idx.msk [tilespmem:v23+s3+$0x0], $0xffff;
	v10 =	vadd.f32 v22, v10;
	v31 =	vmul.f32 $1.442695020e+00, v31;
	(erf) = vpow2.f32 v30;
	v56 =	vpop (erf)  }
0x8b: {  	v9 =	vmul.f32 $1.442695020e+00, v9;
	v55 =	vld.idx.msk [tilespmem:v7+s3+$0x0], $0xffff;
	v1 =	vadd.f32 $1.000000000e+00, v47;
	v58 =	vpop (erf);
	(erf) = vrcp.f32 v35  }
0x8c: {  	v10 =	vmul.f32 $1.442695020e+00, v10;
	v21 =	vld.idx.msk [tilespmem:v21+s3+$0x0], $0xffff;
	v26 =	vadd.f32 v26, v48;
	v59 =	vpop (erf);
	(erf) = vpow2.f32 v31  }
0x8d: {  	v14 =	vadd.f32 v14, v17;
	v53 =	vadd.f32 $1.000000000e+00, v50;
	v61 =	vpop (erf);
	(erf) = vrcp.f32 v1  }
0x8e: {  	v13 =	vld.idx.msk [tilespmem:v13+s3+$0x0], $0xffff;
	v26 =	vmul.f32 $1.442695020e+00, v26;
	v0 =	vadd.f32 v25, v51;
	v63 =	vpop (erf);
	(erf) = vpow2.f32 v28  }
0x8f: {  	v14 =	vmul.f32 $1.442695020e+00, v14;
	v62 =	vld.idx.msk [tilespmem:v27+s3+$0x0], $0xffff;
	v57 =	vadd.f32 $1.000000000e+00, v52;
	(erf) = vrcp.f32 v53;
	v7 =	vpop (erf)  }
0x90: {  	v0 =	vmul.f32 $1.442695020e+00, v0;
	v2 =	vadd.f32 v24, v55;
	v37 =	vpop (erf);
	(erf) = vpow2.f32 v26  }
0x91: {  	v50 =	vld.idx.msk [tilespmem:v19+s3+$0x0], $0xffff;
	v19 =	vadd.f32 v21, v23;
	v60 =	vadd.f32 $1.000000000e+00, v54;
	(erf) = vrcp.f32 v57;
	v39 =	vpop (erf)  }
0x92: {  	v3 =	vmov v6;
	v2 =	vmul.f32 $1.442695020e+00, v2;
	v40 =	vpop (erf);
	(erf) = vpow2.f32 v0  }
0x93: {  	v52 =	vmul.f32 $1.442695020e+00, v19;
	v6 =	vadd.f32 $1.000000000e+00, v58;
	v43 =	vpop (erf);
	(erf) = vrcp.f32 v60  }
0x94: {  	v1 =	vadd.f32 v13, v62;
	v13 =	vmul.f32 $1.442695020e+00, v20;
	v20 =	vpop (erf);
	(erf) = vpow2.f32 v2  }
0x95: {  	v29 =	vmul.f32 v56, v5;
	v38 =	vadd.f32 $1.000000000e+00, v61;
	v46 =	vpop (erf);
	(erf) = vrcp.f32 v6  }
0x96: {  	v1 =	vmul.f32 $1.442695020e+00, v1;
	v11 =	vpop (erf);
	(erf) = vpow2.f32 v13  }
0x97: {  	v16 =	vld.idx.msk [tilespmem:v16+s3+$0x0], $0xffff;
	v35 =	vmul.f32 v59, v5;
	v41 =	vadd.f32 $1.000000000e+00, v7;
	v47 =	vpop (erf);
	(erf) = vrcp.f32 v38  }
0x98: {  	v15 =	vld.idx.msk [tilespmem:v15+s3+$0x0], $0xffff;
	v23 =	vsub.f32 v33, v29;
	v25 =	vmul.f32 v63, v5;
	v22 =	vpop (erf);
	(erf) = vpow2.f32 v1  }
0x99: {  	v44 =	vadd.f32 $1.000000000e+00, v39;
	v48 =	vmul.f32 v11, v5;
	v11 =	vld.idx.msk [tilespmem:v18+s3+$0x0], $0xffff;
	v49 =	vpop (erf);
	(erf) = vrcp.f32 v41  }
0x9a: {  	v24 =	vmul.f32 v37, v5;
	v45 =	vadd.f32 $1.000000000e+00, v43;
	v21 =	vpop (erf);
	(erf) = vpow2.f32 v9  }
0x9b: {  	v13 =	vmul.f32 v20, v5;
	v20 =	vadd.f32 $1.000000000e+00, v46;
	v51 =	vpop (erf);
	(erf) = vrcp.f32 v44  }
0x9c: {  	v19 =	vsub.f32 v33, v25;
	v0 =	vadd.f32 v16, v50;
	v17 =	vpop (erf);
	(erf) = vpow2.f32 v10  }
0x9d: {  	v42 =	vmul.f32 v40, v5;
	v24 =	vsub.f32 v33, v24;
	(erf) = vrcp.f32 v45;
	v53 =	vpop (erf)  }
0x9e: {  	v0 =	vmul.f32 $1.442695020e+00, v0;
	v11 =	vadd.f32 v11, v15;
	v15 =	vpop (erf);
	(erf) = vpow2.f32 v52  }
0x9f: {  	v55 =	vsub.f32 v33, v42;
	v9 =	vadd.f32 $1.000000000e+00, v47;
	(erf) = vrcp.f32 v20;
	v20 =	vpop (erf)  }
0xa0: {  	v18 =	vsub.f32 v33, v35;
	v11 =	vmul.f32 $1.442695020e+00, v11;
	v16 =	vpop (erf);
	(erf) = vpow2.f32 v14  }
0xa1: {  	v13 =	vsub.f32 v33, v13;
	v10 =	vadd.f32 $1.000000000e+00, v49;
	v56 =	vpop (erf);
	(erf) = vrcp.f32 v9  }
0xa2: {  	v1 =	vsub.f32 v33, v48;
	v21 =	vmul.f32 v21, v3;
	v57 =	vpop (erf);
	(erf) = vpow2.f32 v11  }
0xa3: {  	v54 =	vadd.f32 $1.000000000e+00, v51;
	v14 =	vadd.f32 $1.000000000e+00, v53;
	v9 =	vpop (erf);
	(erf) = vrcp.f32 v10  }
0xa4: {  	v20 =	vadd.f32 $1.000000000e+00, v20;
	v10 =	vmul.f32 v22, v3;
	v22 =	vpop (erf);
	(erf) = vpow2.f32 v0  }
0xa5: {  	v59 =	vmul.f32 v17, v3;
	v11 =	vadd.f32 $1.000000000e+00, v56;
	v58 =	vadd.f32 $1.000000000e+00, v9;
	v9 =	vpop (erf)  }
0xa6: {  	(erf) = vrcp.f32 v54;
	v22 =	vmul.f32 v22, v3;
	v60 =	vadd.f32 $1.000000000e+00, v9;
	v61 =	vpop (erf)  }
0xa7: {  	(erf) = vrcp.f32 v14;
	v9 =	vsub.f32 v18, v10;
	v10 =	vmul.f32 v15, v3;
	v14 =	vpop (erf)  }
0xa8: {  	(erf) = vrcp.f32 v20;
	v20 =	vmul.f32 v16, v3;
	v15 =	vadd.f32 $1.000000000e+00, v14;
	v17 =	vpop (erf)  }
0xa9: {  	s0 =	simm.s32 $0x19CC0;
	(erf) = vrcp.f32 v11;
	v14 =	vsub.f32 v23, v21;
	v21 =	vmul.f32 v57, v3;
	v62 =	vpop (erf)  }
0xaa: {  	[tilespmem:s0+$0x30] =	vst v12;
	v16 =	vsub.f32 v19, v59;
	v12 =	vmul.f32 v61, v4;
	(erf) = vrcp.f32 v58;
	v18 =	vpop (erf)  }
0xab: {  	v10 =	vsub.f32 v24, v10;
	v0 =	vadd.f32 $1.000000000e+00, v62;
	(erf) = vrcp.f32 v60;
	v63 =	vpop (erf)  }
0xac: {  	v11 =	vsub.f32 v55, v20;
	(erf) = vrcp.f32 v15;
	v15 =	vsub.f32 v13, v21;
	v19 =	vpop (erf)  }
0xad: {  	s2 =	simm.s32 $0x19CC0;
	s6 =	simm.s32 $0x0;
	s8 =	simm.s32 $0x13940;
	v13 =	vsub.f32 v1, v22;
	v20 =	vadd.f32 $1.000000000e+00, v63;
	(erf) = vrcp.f32 v0;
	v21 =	vpop (erf)  }
.LBB2_3:
0xae: {  	v31 =	vld [tilespmem:$0x1FF90]  }
0xaf: {  	v0 =	vld [tilespmem:s8+$0x30]  }
0xb0: {  	v23 =	vld [tilespmem:s8+$0xFFFFFFD0]  }
0xb1: {  	s1 =	sadd.s32 $0x80, s1;
	v26 =	vld [tilespmem:s8+$0xFFFFFFE0]  }
0xb2: {  	v2 =	vadd.f32 $1.000000000e+00, v21;
	v21 =	vld [tilespmem:s1+$0x30]  }
0xb3: {  	v22 =	vld [tilespmem:s1+$0xFFFFFFC0];
	v1 =	vmul.f32 v17, v31  }
0xb4: {  	v29 =	vsub.f32 v9, v12;
	v17 =	vpop (erf);
	(erf) = vrcp.f32 v20;
	v9 =	vmul.f32 v18, v31;
	v20 =	vld [tilespmem:$0x1FFA0]  }
0xb5: {  	v58 =	vld [tilespmem:s1+$0xFFFFFFD0];
	v18 =	vmul.f32 v19, v31  }
0xb6: {  	v19 =	vpop (erf);
	v4 =	vmul.f32 v17, v31;
	v17 =	vld [tilespmem:s1+$0xFFFFFFE0];
	v3 =	vsub.f32 v16, v9  }
0xb7: {  	v0 =	vshll.u32 v0, $0x3;
	v37 =	vsub.f32 v14, v1;
	v14 =	vpop (erf);
	v59 =	vsub.f32 v10, v18;
	v18 =	vld [tilespmem:s1+$0x10]  }
0xb8: {  	v28 =	vor.u32 $0x2, v0;
	v14 =	vmul.f32 v14, v31;
	v16 =	vpop (erf);
	[tilespmem:$0x1FEB0] =	vst v3;
	v3 =	vld [tilespmem:s8+$0x20]  }
0xb9: {  	(erf) = vrcp.f32 v2;
	v45 =	vmul.f32 v16, v20;
	v16 =	vld [tilespmem:s1+$0xFFFFFFF0]  }
0xba: {  	v9 =	vmul.f32 v19, v31;
	v2 =	vshll.u32 v58, $0x3;
	v63 =	vsub.f32 v13, v14;
	v13 =	vld [tilespmem:s1+$0x0]  }
0xbb: {  	v24 =	vor.u32 $0x4, v2;
	v14 =	vshll.u32 v21, $0x3;
	v21 =	vld [tilespmem:s1+$0x20]  }
0xbc: {  	v62 =	vsub.f32 v15, v9;
	v15 =	vshll.u32 v22, $0x3;
	v22 =	vor.u32 $0x1, v0;
	v30 =	vld.idx.msk [tilespmem:v0+s3+$0x0], $0xffff  }
0xbd: {  	v0 =	vor.u32 $0x3, v0;
	v28 =	vld.idx.msk [tilespmem:v28+s3+$0x0], $0xffff  }
0xbe: {  	[tilespmem:$0x1FEF0] =	vst v62;
	v19 =	vor.u32 $0x4, v14;
	v62 =	vld [tilespmem:s8+$0xFFFFFFF0]  }
0xbf: {  	v60 =	vsub.f32 v11, v4;
	v61 =	vpop (erf);
	v25 =	vshll.u32 v17, $0x3;
	v17 =	vor.u32 $0x5, v14;
	[tilespmem:$0x1FF60] =	vst v63;
	v63 =	vld [tilespmem:s8+$0x0]  }
0xc0: {  	v56 =	vor.u32 $0x5, v2;
	v38 =	vor.u32 $0x6, v2;
	v4 =	vpop (erf);
	v32 =	vor.u32 $0x6, v14;
	v8 =	vld.idx.msk [tilespmem:v24+s3+$0x0], $0xffff  }
0xc1: {  	v2 =	vor.u32 $0x7, v2;
	v5 =	vpop (erf);
	v14 =	vor.u32 $0x7, v14;
	v52 =	vshll.u32 v21, $0x3;
	v21 =	vld.idx.msk [tilespmem:v22+s3+$0x0], $0xffff  }
0xc2: {  	v1 =	vmul.f32 v5, v20;
	v27 =	vor.u32 $0x4, v25;
	v18 =	vshll.u32 v18, $0x3;
	v0 =	vld.idx.msk [tilespmem:v0+s3+$0x0], $0xffff  }
0xc3: {  	v42 =	vmul.f32 v61, v20;
	v58 =	vor.u32 $0x5, v15;
	v44 =	vor.u32 $0x4, v18;
	v19 =	vld.idx.msk [tilespmem:v19+s3+$0x0], $0xffff  }
0xc4: {  	v61 =	vshll.u32 v26, $0x3;
	v40 =	vor.u32 $0x6, v15;
	[tilespmem:$0x1FED0] =	vst v1;
	v1 =	vor.u32 $0x4, v15;
	v17 =	vld.idx.msk [tilespmem:v17+s3+$0x0], $0xffff  }
0xc5: {  	v36 =	vmul.f32 v4, v20;
	v55 =	vor.u32 $0x1, v61;
	v22 =	vshll.u32 v23, $0x3;
	v46 =	vld.idx.msk [tilespmem:v32+s3+$0x0], $0xffff  }
0xc6: {  	v35 =	vor.u32 $0x2, v61;
	v53 =	vor.u32 $0x5, v25;
	v26 =	vor.u32 $0x6, v25;
	v49 =	vld.idx.msk [tilespmem:v14+s3+$0x0], $0xffff  }
0xc7: {  	v5 =	vor.u32 $0x7, v15;
	v47 =	vor.u32 $0x5, v18;
	v13 =	vshll.u32 v13, $0x3;
	v9 =	vld.idx.msk [tilespmem:v27+s3+$0x0], $0xffff  }
0xc8: {  	v6 =	vor.u32 $0x6, v18;
	v3 =	vshll.u32 v3, $0x3;
	v41 =	vor.u32 $0x4, v13;
	v27 =	vld.idx.msk [tilespmem:v44+s3+$0x0], $0xffff  }
0xc9: {  	[tilespmem:$0x1FEE0] =	vst v60;
	v16 =	vshll.u32 v16, $0x3;
	v60 =	vor.u32 $0x4, v52;
	v12 =	vld.idx.msk [tilespmem:v1+s3+$0x0], $0xffff;
	v19 =	vadd.f32 v19, v30  }
0xca: {  	v34 =	vor.u32 $0x4, v16;
	v63 =	vshll.u32 v63, $0x3;
	v1 =	vld.idx.msk [tilespmem:v22+s3+$0x0], $0xffff;
	v17 =	vadd.f32 v17, v21  }
0xcb: {  	[tilespmem:$0x1FEC0] =	vst v59;
	v51 =	vpop (erf);
	v59 =	vor.u32 $0x1, v22;
	v28 =	vadd.f32 v46, v28;
	v46 =	vld [tilespmem:s8+$0xFFFFFFC0];
	v14 =	vmul.f32 $1.442695020e+00, v19  }
0xcc: {  	v54 =	vpop (erf);
	v50 =	vor.u32 $0x5, v16;
	v48 =	vor.u32 $0x5, v13;
	v19 =	vld [tilespmem:s8+$0x10];
	v4 =	vmul.f32 $1.442695020e+00, v17  }
0xcd: {  	[tilespmem:$0x1FF20] =	vst v5;
	v57 =	vpop (erf);
	v43 =	vor.u32 $0x5, v52;
	v5 =	vor.u32 $0x3, v22;
	v24 =	vld.idx.msk [tilespmem:v41+s3+$0x0], $0xffff;
	(erf) = vpow2.f32 v14  }
0xce: {  	v62 =	vshll.u32 v62, $0x3;
	v0 =	vadd.f32 v49, v0;
	v10 =	vld.idx.msk [tilespmem:v60+s3+$0x0], $0xffff;
	(erf) = vpow2.f32 v4  }
0xcf: {  	v39 =	vor.u32 $0x2, v22;
	v32 =	vor.u32 $0x6, v16;
	[tilespmem:$0x1FF30] =	vst v5;
	v5 =	vld.idx.msk [tilespmem:v63+s3+$0x0], $0xffff;
	v28 =	vmul.f32 $1.442695020e+00, v28  }
0xd0: {  	v0 =	vmul.f32 $1.442695020e+00, v0;
	v14 =	vor.u32 $0x1, v62;
	v1 =	vadd.f32 v8, v1;
	v8 =	vld.idx.msk [tilespmem:v3+s3+$0x0], $0xffff  }
0xd1: {  	[tilespmem:$0x1FF00] =	vst v6;
	v11 =	vld.idx.msk [tilespmem:v34+s3+$0x0], $0xffff;
	(erf) = vpow2.f32 v28;
	v6 =	vshll.u32 v19, $0x3;
	v19 =	vshll.u32 v46, $0x3  }
0xd2: {  	v7 =	vor.u32 $0x6, v52;
	v15 =	vor.u32 $0x1, v63;
	v49 =	vor.u32 $0x3, v61;
	v4 =	vld.idx.msk [tilespmem:v61+s3+$0x0], $0xffff  }
0xd3: {  	[tilespmem:$0x1FF50] =	vst v49;
	v49 =	vor.u32 $0x2, v62;
	v61 =	vor.u32 $0x3, v62;
	v62 =	vld.idx.msk [tilespmem:v62+s3+$0x0], $0xffff;
	(erf) = vpow2.f32 v0  }
0xd4: {  	v30 =	vor.u32 $0x6, v13;
	v60 =	vor.u32 $0x3, v63;
	v5 =	vadd.f32 v24, v5;
	v24 =	vld [tilespmem:$0x1FEE0]  }
0xd5: {  	[tilespmem:$0x1FF10] =	vst v7;
	v28 =	vor.u32 $0x7, v25;
	v7 =	vor.u32 $0x1, v19;
	v8 =	vadd.f32 v10, v8;
	v10 =	vld.idx.msk [tilespmem:v14+s3+$0x0], $0xffff  }
0xd6: {  	[tilespmem:$0x1FF40] =	vst v2;
	v25 =	vor.u32 $0x7, v16;
	v46 =	vor.u32 $0x2, v63;
	v17 =	vor.u32 $0x1, v6;
	v2 =	vld.idx.msk [tilespmem:v19+s3+$0x0], $0xffff;
	v22 =	vpop (erf)  }
0xd7: {  	v23 =	vor.u32 $0x2, v19;
	v14 =	vld.idx.msk [tilespmem:v15+s3+$0x0], $0xffff;
	v16 =	vadd.f32 $1.000000000e+00, v22;
	v22 =	vor.u32 $0x7, v13;
	v13 =	vpop (erf)  }
0xd8: {  	v44 =	vor.u32 $0x2, v6;
	v11 =	vadd.f32 v11, v62;
	v62 =	vld [tilespmem:$0x1FF80];
	v13 =	vadd.f32 $1.000000000e+00, v13  }
0xd9: {  	v34 =	vor.u32 $0x3, v19;
	v19 =	vor.u32 $0x3, v6;
	v6 =	vld.idx.msk [tilespmem:v6+s3+$0x0], $0xffff;
	(erf) = vrcp.f32 v16  }
0xda: {  	v63 =	vor.u32 $0x7, v52;
	v52 =	vmul.f32 v51, v20;
	v51 =	vmul.f32 v54, v20;
	v7 =	vld.idx.msk [tilespmem:v7+s3+$0x0], $0xffff;
	v0 =	vpop (erf)  }
0xdb: {  	v0 =	vadd.f32 $1.000000000e+00, v0;
	(erf) = vrcp.f32 v13;
	v54 =	vadd.f32 v12, v2;
	v2 =	vld.idx.msk [tilespmem:v58+s3+$0x0], $0xffff  }
0xdc: {  	v58 =	vld.idx.msk [tilespmem:v50+s3+$0x0], $0xffff;
	v13 =	vpop (erf)  }
0xdd: {  	v4 =	vadd.f32 v9, v4;
	(erf) = vrcp.f32 v0;
	v9 =	vadd.f32 $1.000000000e+00, v13;
	v13 =	vld.idx.msk [tilespmem:v59+s3+$0x0], $0xffff  }
0xde: {  	v16 =	vor.u32 $0x3, v3;
	v59 =	vld [tilespmem:$0x1FF70]  }
0xdf: {  	v1 =	vmul.f32 $1.442695020e+00, v1;
	v12 =	vsub.f32 v37, v42;
	v37 =	vld.idx.msk [tilespmem:v47+s3+$0x0], $0xffff  }
0xe0: {  	v21 =	vor.u32 $0x1, v3;
	v5 =	vmul.f32 $1.442695020e+00, v5;
	(erf) = vrcp.f32 v9;
	v9 =	vld.idx.msk [tilespmem:v56+s3+$0x0], $0xffff  }
0xe1: {  	v41 =	vor.u32 $0x2, v3;
	v4 =	vmul.f32 $1.442695020e+00, v4;
	v3 =	vmul.f32 v57, v20;
	[tilespmem:s0+$0xFFFFFFD0] =	vst v12;
	v12 =	vld [tilespmem:$0x1FEB0]  }
0xe2: {  	v29 =	vsub.f32 v29, v45;
	v45 =	vmul.f32 $1.442695020e+00, v54;
	v54 =	vld.idx.msk [tilespmem:v55+s3+$0x0], $0xffff;
	v55 =	vmul.f32 $1.442695020e+00, v11;
	v57 =	vpop (erf)  }
0xe3: {  	v6 =	vadd.f32 v27, v6;
	v16 =	vld.idx.msk [tilespmem:v16+s3+$0x0], $0xffff;
	(erf) = vpow2.f32 v1;
	v0 =	vmul.f32 v57, v59  }
0xe4: {  	v56 =	vld.idx.msk [tilespmem:v53+s3+$0x0], $0xffff;
	v2 =	vadd.f32 v2, v7;
	v7 =	vadd.f32 v58, v10;
	(erf) = vpow2.f32 v4;
	v11 =	vpop (erf)  }
0xe5: {  	v10 =	vld.idx.msk [tilespmem:v43+s3+$0x0], $0xffff;
	(erf) = vpow2.f32 v45;
	v11 =	vmul.f32 v11, v62;
	v0 =	vsub.f32 v33, v0  }
0xe6: {  	[tilespmem:s0+$0xFFFFFFC0] =	vst v29;
	v27 =	vmul.f32 $1.442695020e+00, v6;
	v50 =	vld.idx.msk [tilespmem:v39+s3+$0x0], $0xffff;
	(erf) = vpow2.f32 v55;
	v12 =	vsub.f32 v12, v36;
	v36 =	vpop (erf)  }
0xe7: {  	v29 =	vadd.f32 v9, v13;
	v9 =	vld.idx.msk [tilespmem:v48+s3+$0x0], $0xffff;
	v0 =	vsub.f32 v0, v11;
	v11 =	vmul.f32 v36, v31  }
0xe8: {  	v8 =	vmul.f32 $1.442695020e+00, v8;
	(erf) = vpow2.f32 v5;
	v13 =	vld [tilespmem:$0x1FED0]  }
0xe9: {  	v15 =	vmul.f32 $1.442695020e+00, v2;
	(erf) = vpow2.f32 v27;
	v0 =	vsub.f32 v0, v11;
	v11 =	vld [tilespmem:$0x1FEC0]  }
0xea: {  	v1 =	vadd.f32 v56, v54;
	v54 =	vld.idx.msk [tilespmem:v38+s3+$0x0], $0xffff;
	(erf) = vpow2.f32 v8  }
0xeb: {  	[tilespmem:s0+$0xFFFFFFE0] =	vst v12;
	v12 =	vld.idx.msk [tilespmem:v17+s3+$0x0], $0xffff;
	v17 =	vmul.f32 $1.442695020e+00, v29;
	(erf) = vpow2.f32 v15  }
0xec: {  	v38 =	vld [tilespmem:$0x1FF30];
	v42 =	vpop (erf)  }
0xed: {  	v27 =	vld [tilespmem:$0x1FEF0];
	v1 =	vmul.f32 $1.442695020e+00, v1;
	v45 =	vpop (erf);
	(erf) = vpow2.f32 v17  }
0xee: {  	v8 =	vld.idx.msk [tilespmem:v21+s3+$0x0], $0xffff;
	v15 =	vmul.f32 v42, v20;
	v47 =	vpop (erf);
	v6 =	vadd.f32 $1.000000000e+00, v45;
	v11 =	vsub.f32 v11, v13  }
0xef: {  	v17 =	vmul.f32 $1.442695020e+00, v7;
	v9 =	vadd.f32 v9, v14;
	v48 =	vpop (erf);
	(erf) = vpow2.f32 v1;
	v13 =	vld.idx.msk [tilespmem:v23+s3+$0x0], $0xffff  }
0xf0: {  	v15 =	vsub.f32 v0, v15;
	v14 =	vadd.f32 $1.000000000e+00, v48;
	(erf) = vrcp.f32 v6;
	v53 =	vpop (erf);
	[tilespmem:s0+$0xFFFFFFF0] =	vst v11;
	v11 =	vld.idx.msk [tilespmem:v40+s3+$0x0], $0xffff  }
0xf1: {  	v36 =	vld [tilespmem:$0x1FF10];
	v20 =	vmul.f32 $1.442695020e+00, v9;
	v4 =	vadd.f32 v37, v12;
	(erf) = vpow2.f32 v17;
	v55 =	vpop (erf)  }
0xf2: {  	v5 =	vadd.f32 $1.000000000e+00, v47;
	v12 =	vld.idx.msk [tilespmem:v35+s3+$0x0], $0xffff;
	(erf) = vrcp.f32 v14;
	v56 =	vpop (erf)  }
0xf3: {  	v8 =	vadd.f32 v10, v8;
	v4 =	vmul.f32 $1.442695020e+00, v4;
	v14 =	vld.idx.msk [tilespmem:v26+s3+$0x0], $0xffff;
	(erf) = vpow2.f32 v20;
	v9 =	vpop (erf);
	s0 =	sadd.s32 $0x80, s0  }
0xf4: {  	v47 =	vld.idx.msk [tilespmem:v63+s3+$0x0], $0xffff;
	v0 =	vadd.f32 $1.000000000e+00, v53;
	[tilespmem:s0+$0x30] =	vst v15;
	v15 =	vpop (erf);
	(erf) = vrcp.f32 v5  }
0xf5: {  	v8 =	vmul.f32 $1.442695020e+00, v8;
	v10 =	vld.idx.msk [tilespmem:v49+s3+$0x0], $0xffff;
	(erf) = vpow2.f32 v4;
	v57 =	vadd.f32 v11, v13  }
0xf6: {  	v7 =	vadd.f32 $1.000000000e+00, v55;
	v58 =	vadd.f32 $1.000000000e+00, v15;
	v15 =	vpop (erf);
	(erf) = vrcp.f32 v0;
	v11 =	vld.idx.msk [tilespmem:v32+s3+$0x0], $0xffff  }
0xf7: {  	v2 =	vadd.f32 v54, v50;
	v26 =	vld.idx.msk [tilespmem:v30+s3+$0x0], $0xffff;
	(erf) = vpow2.f32 v8;
	v21 =	vmul.f32 $1.442695020e+00, v57  }
0xf8: {  	v1 =	vadd.f32 $1.000000000e+00, v56;
	v29 =	vadd.f32 v14, v12;
	v12 =	vld [tilespmem:$0x1FF00];
	v17 =	vpop (erf);
	(erf) = vrcp.f32 v7  }
0xf9: {  	v2 =	vmul.f32 $1.442695020e+00, v2;
	v40 =	vld [tilespmem:$0x1FF50];
	v30 =	vpop (erf);
	(erf) = vpow2.f32 v21  }
0xfa: {  	v9 =	vadd.f32 $1.000000000e+00, v9;
	v13 =	vld.idx.msk [tilespmem:v46+s3+$0x0], $0xffff;
	v20 =	vpop (erf);
	(erf) = vrcp.f32 v1  }
0xfb: {  	v14 =	vadd.f32 $1.000000000e+00, v17;
	v17 =	vld.idx.msk [tilespmem:v41+s3+$0x0], $0xffff;
	v35 =	vadd.f32 v11, v10;
	v10 =	vpop (erf);
	(erf) = vpow2.f32 v2  }
0xfc: {  	v11 =	vadd.f32 $1.000000000e+00, v20;
	v20 =	vpop (erf);
	(erf) = vrcp.f32 v9;
	v9 =	vld [tilespmem:$0x1FF20]  }
0xfd: {  	v0 =	vsub.f32 v24, v52;
	v7 =	vld.idx.msk [tilespmem:v36+s3+$0x0], $0xffff  }
0xfe: {  	v18 =	vor.u32 $0x7, v18;
	v21 =	vld [tilespmem:$0x1FF40]  }
0xff: {  	v8 =	vadd.f32 $1.000000000e+00, v15;
	v15 =	vld.idx.msk [tilespmem:v44+s3+$0x0], $0xffff;
	[tilespmem:s2+$0x0] =	vst v0;
	v0 =	vsub.f32 v27, v51  }
0x100: {  	v12 =	vld.idx.msk [tilespmem:v12+s3+$0x0], $0xffff  }
0x101: {  	v32 =	vmul.f32 $1.442695020e+00, v29;
	[tilespmem:s2+$0x10] =	vst v0;
	v37 =	vmul.f32 v10, v59;
	v10 =	vld.idx.msk [tilespmem:v34+s3+$0x0], $0xffff  }
0x102: {  	v5 =	vmul.f32 v30, v59;
	v6 =	vadd.f32 v26, v13;
	v19 =	vld.idx.msk [tilespmem:v19+s3+$0x0], $0xffff  }
0x103: {  	v7 =	vadd.f32 v7, v17;
	v1 =	vmul.f32 $1.442695020e+00, v35;
	v13 =	vpop (erf);
	v18 =	vld.idx.msk [tilespmem:v18+s3+$0x0], $0xffff;
	(erf) = vpow2.f32 v32  }
0x104: {  	v6 =	vmul.f32 $1.442695020e+00, v6;
	v39 =	vpop (erf);
	(erf) = vrcp.f32 v58;
	v9 =	vld.idx.msk [tilespmem:v9+s3+$0x0], $0xffff  }
0x105: {  	v0 =	vld.idx.msk [tilespmem:v38+s3+$0x0], $0xffff;
	v7 =	vmul.f32 $1.442695020e+00, v7;
	v12 =	vadd.f32 v12, v15;
	v15 =	vpop (erf);
	(erf) = vpow2.f32 v1  }
0x106: {  	v20 =	vadd.f32 $1.000000000e+00, v20;
	v13 =	vmul.f32 v13, v59;
	v21 =	vld.idx.msk [tilespmem:v21+s3+$0x0], $0xffff;
	(erf) = vrcp.f32 v8;
	v8 =	vpop (erf)  }
0x107: {  	v23 =	vld.idx.msk [tilespmem:v28+s3+$0x0], $0xffff;
	v4 =	vadd.f32 $1.000000000e+00, v39;
	v12 =	vmul.f32 $1.442695020e+00, v12;
	v17 =	vpop (erf);
	(erf) = vpow2.f32 v6  }
0x108: {  	v1 =	vld.idx.msk [tilespmem:v40+s3+$0x0], $0xffff;
	v15 =	vmul.f32 v15, v59;
	v18 =	vadd.f32 v18, v19;
	v42 =	vpop (erf);
	(erf) = vrcp.f32 v14  }
0x109: {  	v41 =	vld.idx.msk [tilespmem:v61+s3+$0x0], $0xffff;
	v8 =	vadd.f32 $1.000000000e+00, v8;
	v14 =	vpop (erf);
	(erf) = vpow2.f32 v12;
	v9 =	vadd.f32 v9, v10  }
0x10a: {  	v6 =	vadd.f32 v47, v16;
	v17 =	vmul.f32 v17, v59;
	v44 =	vpop (erf);
	(erf) = vrcp.f32 v11;
	v10 =	vld.idx.msk [tilespmem:v25+s3+$0x0], $0xffff  }
0x10b: {  	v43 =	vld.idx.msk [tilespmem:v60+s3+$0x0], $0xffff;
	v0 =	vadd.f32 v21, v0;
	v21 =	vpop (erf);
	(erf) = vpow2.f32 v7;
	v9 =	vmul.f32 $1.442695020e+00, v9  }
0x10c: {  	v51 =	vsub.f32 v33, v15;
	v15 =	vmul.f32 $1.442695020e+00, v18;
	v11 =	vld.idx.msk [tilespmem:v22+s3+$0x0], $0xffff;
	v22 =	vpop (erf);
	(erf) = vrcp.f32 v20  }
0x10d: {  	v1 =	vadd.f32 v23, v1;
	v0 =	vmul.f32 $1.442695020e+00, v0;
	v20 =	vpop (erf);
	(erf) = vpow2.f32 v9  }
0x10e: {  	v12 =	vadd.f32 $1.000000000e+00, v42;
	v9 =	vadd.f32 $1.000000000e+00, v22;
	v22 =	vpop (erf);
	(erf) = vrcp.f32 v4  }
0x10f: {  	v1 =	vmul.f32 $1.442695020e+00, v1;
	v46 =	vadd.f32 v10, v41;
	v10 =	vpop (erf);
	(erf) = vpow2.f32 v0  }
0x110: {  	v6 =	vmul.f32 $1.442695020e+00, v6;
	v49 =	vadd.f32 $1.000000000e+00, v22;
	v22 =	vpop (erf);
	(erf) = vrcp.f32 v8  }
0x111: {  	v4 =	vmul.f32 $1.442695020e+00, v46;
	v8 =	vadd.f32 v11, v43;
	v11 =	vpop (erf);
	(erf) = vpow2.f32 v1  }
0x112: {  	v45 =	vadd.f32 $1.000000000e+00, v44;
	v53 =	vmul.f32 v10, v62;
	v10 =	vld [tilespmem:$0x1FF60];
	(erf) = vrcp.f32 v12;
	v12 =	vpop (erf)  }
0x113: {  	v48 =	vsub.f32 v33, v5;
	v8 =	vmul.f32 $1.442695020e+00, v8;
	v19 =	vpop (erf);
	(erf) = vpow2.f32 v4  }
0x114: {  	v50 =	vsub.f32 v33, v13;
	v14 =	vmul.f32 v14, v59;
	(erf) = vrcp.f32 v45;
	v52 =	vpop (erf)  }
0x115: {  	v21 =	vmul.f32 v21, v59;
	v13 =	vadd.f32 $1.000000000e+00, v22;
	v16 =	vpop (erf);
	(erf) = vpow2.f32 v8  }
0x116: {  	v12 =	vadd.f32 $1.000000000e+00, v12;
	v8 =	vsub.f32 v33, v17;
	v17 =	vpop (erf);
	(erf) = vrcp.f32 v9  }
0x117: {  	v3 =	vsub.f32 v10, v3;
	v10 =	vmul.f32 v11, v62;
	v18 =	vpop (erf);
	(erf) = vpow2.f32 v15  }
0x118: {  	v54 =	vmul.f32 v19, v62;
	v7 =	vadd.f32 $1.000000000e+00, v52;
	v9 =	vpop (erf);
	(erf) = vrcp.f32 v49  }
0x119: {  	v17 =	vadd.f32 $1.000000000e+00, v17;
	v15 =	vsub.f32 v33, v14;
	v22 =	vpop (erf);
	(erf) = vpow2.f32 v6  }
0x11a: {  	v14 =	vmul.f32 v20, v62;
	v20 =	vadd.f32 $1.000000000e+00, v9;
	v9 =	vpop (erf);
	(erf) = vrcp.f32 v13  }
0x11b: {  	v2 =	vsub.f32 v33, v37;
	v57 =	vmul.f32 v16, v62;
	v13 =	vpop (erf);
	(erf) = vrcp.f32 v12  }
0x11c: {  	s6 =	sadd.s32 $0x8, s6;
	v21 =	vsub.f32 v33, v21;
	v58 =	vmul.f32 v18, v62;
	v55 =	vpop (erf);
	(erf) = vrcp.f32 v7  }
0x11d: {  	p1 =	slt.u32 s6, $0x188;
	v16 =	vsub.f32 v50, v10;
	v10 =	vsub.f32 v51, v54;
	(erf) = vrcp.f32 v17;
	v17 =	vpop (erf)  }
.Ltmp0:
0x11e: {  	v61 =	vmul.f32 v22, v62;
	v15 =	vsub.f32 v15, v58;
	v11 =	vadd.f32 $1.000000000e+00, v9;
	v60 =	vpop (erf);
	(pc) =	sbr.rel @p1 .LBB2_3-.Ltmp0, $4  }
0x11f: {  	v9 =	vsub.f32 v2, v14;
	v56 =	vadd.f32 $1.000000000e+00, v55;
	(erf) = vrcp.f32 v20;
	v18 =	vpop (erf)  }
0x120: {  	v14 =	vsub.f32 v48, v53;
	v6 =	vadd.f32 $1.000000000e+00, v60;
	(erf) = vrcp.f32 v11;
	v63 =	vpop (erf)  }
0x121: {  	v12 =	vmul.f32 v13, v31;
	v13 =	vsub.f32 v21, v61;
	(erf) = vrcp.f32 v56;
	v19 =	vpop (erf)  }
0x122: {  	s8 =	sadd.s32 $0x80, s8;
	[tilespmem:s2+$0x20] =	vst v3;
	s2 =	smov.u32 s0;
	v11 =	vsub.f32 v8, v57;
	v20 =	vadd.f32 $1.000000000e+00, v63;
	(erf) = vrcp.f32 v6;
	v21 =	vpop (erf)  }
0x123: {  	v58 =	vld [tilespmem:$0x1FF90]  }
0x124: {  	v0 =	vadd.f32 $1.000000000e+00, v21  }
0x125: {  	v1 =	vpop (erf);
	v57 =	vld [tilespmem:$0x1FFA0];
	(erf) = vrcp.f32 v20  }
0x126: {  	v43 =	vpop (erf);
	(erf) = vrcp.f32 v0  }
0x127: {  	v3 =	vpop (erf)  }
0x128: {  	v7 =	vpop (erf);
	v2 =	vmul.f32 v17, v58;
	v5 =	vmul.f32 v18, v58  }
0x129: {  	v6 =	vmul.f32 v19, v58;
	v1 =	vmul.f32 v1, v58;
	v8 =	vpop (erf)  }
0x12a: {  	v4 =	vsub.f32 v9, v12;
	v7 =	vmul.f32 v7, v57;
	v8 =	vmul.f32 v8, v57  }
0x12b: {  	v0 =	vmul.f32 v43, v58;
	v3 =	vmul.f32 v3, v58;
	v9 =	vpop (erf);
	v2 =	vsub.f32 v14, v2  }
0x12c: {  	v5 =	vsub.f32 v16, v5;
	v9 =	vmul.f32 v9, v57;
	v12 =	vpop (erf);
	v4 =	vsub.f32 v4, v7  }
0x12d: {  	v6 =	vsub.f32 v10, v6;
	v44 =	vmul.f32 v12, v57;
	v10 =	vpop (erf);
	v2 =	vsub.f32 v2, v8  }
0x12e: {  	v1 =	vsub.f32 v11, v1;
	v10 =	vmul.f32 v10, v57;
	[tilespmem:s0+$0xFFFFFFC0] =	vst v4;
	v45 =	vsub.f32 v5, v9;
	v8 =	vpop (erf)  }
0x12f: {  	v0 =	vsub.f32 v15, v0;
	v47 =	vsub.f32 v6, v44;
	v46 =	vpop (erf);
	v8 =	vmul.f32 v8, v57;
	[tilespmem:s0+$0xFFFFFFD0] =	vst v2  }
0x130: {  	v3 =	vsub.f32 v13, v3;
	[tilespmem:s0+$0xFFFFFFE0] =	vst v45;
	v1 =	vsub.f32 v1, v10;
	v5 =	vmul.f32 v46, v57  }
0x131: {  	[tilespmem:s0+$0xFFFFFFF0] =	vst v47;
	v0 =	vsub.f32 v0, v8  }
0x132: {  	[tilespmem:s2+$0x0] =	vst v1;
	v48 =	vsub.f32 v3, v5  }
0x133: {  	s8 =	sshrl.u32 s31, $0x3;
	[tilespmem:s2+$0x10] =	vst v0  }
0x134: {  	s6 =	sadd.s32 s12, s31;
	s0 =	sadd.s32 $0x640, s8;
	[tilespmem:s2+$0x20] =	vst v48  }
0x135: {  	[hbm4b:s6+s13] =	stream.strided.scatter [tilespmem:s22], [sflag:$0x3], $0x1900, s14, s13, $0x38;
	[tilespmem:$0x1CF00] =	vst v63  }
0x136: {  	s1 =	sadd.s32 s4, s0  }
0x137: {  	[tilespmem:s17], [sflag:$0x1] =	stream.linear.gather [hbm4b:s1+s3], $0x1900, $0x38;
	[tilespmem:$0x1CF00] =	vst v63  }
0x138: {  	s0 =	sadd.s32 s5, s0  }
0x139: {  	[tilespmem:s18], [sflag:$0x1] =	stream.linear.gather [hbm4b:s0+s3], $0x1900, $0x38;
	[tilespmem:$0x1CF00] =	vst v63  }
0x13a: {  	_ =	swait.ge [sflag:s23], $0x1900  }
0x13b: {  	[sflag:s23] =	ssyncset.done $0x0  }
0x13c: {  	[sflag:s23] =	ssyncadd.s32 $0xFFFFE700  }
0x13d: {  	_ =	swait.ge [sflag:s23], $0x1900  }
0x13e: {  	[sflag:s23] =	ssyncset.done $0x0  }
0x13f: {  	s0 =	simm.s32 @!p0 $0x4;
	[sflag:s23] =	ssyncadd.s32 $0xFFFFE700  }
0x140: {  	_ =	swait.ge @!p0 [sflag:s0], $0x1900  }
0x141: {  	[sflag:s0] =	ssyncset.done @!p0 $0x0  }
0x142: {  	s31 =	simm.s32 $0x16AC0;
	[sflag:s0] =	ssyncadd.s32 @!p0 $0xFFFFE700  }
0x143: {  	s1 =	simm.s32 $0x183C0;
	v49 =	vld [tilespmem:s31+$0x30]  }
0x144: {  	v50 =	vld [tilespmem:s1+$0x30]  }
0x145: {  	v51 =	vld [tilespmem:s1+$0xFFFFFFC0]  }
0x146: {  	v52 =	vld [tilespmem:s1+$0xFFFFFFD0]  }
0x147: {  	v53 =	vld [tilespmem:s1+$0xFFFFFFE0]  }
0x148: {  	v11 =	vld [tilespmem:s31+$0xFFFFFFD0]  }
0x149: {  	v54 =	vld [tilespmem:s1+$0xFFFFFFF0]  }
0x14a: {  	v55 =	vld [tilespmem:s1+$0x0]  }
0x14b: {  	v56 =	vld [tilespmem:s1+$0x10]  }
0x14c: {  	v9 =	vld [tilespmem:s1+$0x20];
	v0 =	vshll.u32 v49, $0x3  }
0x14d: {  	v13 =	vld [tilespmem:s31+$0xFFFFFFE0];
	v1 =	vshll.u32 v50, $0x3;
	v27 =	vshll.u32 v11, $0x3  }
0x14e: {  	v43 =	vld [tilespmem:s31+$0x0];
	v8 =	vor.u32 $0x4, v1  }
0x14f: {  	v44 =	vld [tilespmem:s31+$0x10];
	v10 =	vor.u32 $0x1, v0  }
0x150: {  	v45 =	vld [tilespmem:s31+$0x20];
	v12 =	vor.u32 $0x5, v1  }
0x151: {  	v14 =	vor.u32 $0x2, v0;
	v15 =	vld.idx.msk [tilespmem:v0+s3+$0x0], $0xffff  }
0x152: {  	v16 =	vor.u32 $0x6, v1;
	v50 =	vld.idx.msk [tilespmem:v27+s3+$0x0], $0xffff  }
0x153: {  	v2 =	vshll.u32 v51, $0x3;
	v1 =	vor.u32 $0x7, v1;
	v8 =	vld.idx.msk [tilespmem:v8+s3+$0x0], $0xffff  }
0x154: {  	v35 =	vshll.u32 v9, $0x3;
	v17 =	vor.u32 $0x4, v2;
	v10 =	vld.idx.msk [tilespmem:v10+s3+$0x0], $0xffff  }
0x155: {  	v3 =	vshll.u32 v52, $0x3;
	v32 =	vor.u32 $0x4, v35;
	v12 =	vld.idx.msk [tilespmem:v12+s3+$0x0], $0xffff  }
0x156: {  	v37 =	vor.u32 $0x5, v3;
	v14 =	vld.idx.msk [tilespmem:v14+s3+$0x0], $0xffff  }
0x157: {  	v34 =	vor.u32 $0x5, v35;
	v9 =	vld.idx.msk [tilespmem:v16+s3+$0x0], $0xffff  }
0x158: {  	v4 =	vshll.u32 v53, $0x3;
	v53 =	vshll.u32 v13, $0x3;
	v0 =	vor.u32 $0x3, v0;
	v1 =	vld.idx.msk [tilespmem:v1+s3+$0x0], $0xffff  }
0x159: {  	v5 =	vshll.u32 v54, $0x3;
	v29 =	vor.u32 $0x2, v53;
	v46 =	vld.idx.msk [tilespmem:v17+s3+$0x0], $0xffff  }
0x15a: {  	v6 =	vshll.u32 v55, $0x3;
	v7 =	vshll.u32 v56, $0x3;
	v26 =	vor.u32 $0x6, v5;
	v48 =	vld.idx.msk [tilespmem:v32+s3+$0x0], $0xffff  }
0x15b: {  	v18 =	vor.u32 $0x4, v3;
	v24 =	vor.u32 $0x6, v7;
	v37 =	vld.idx.msk [tilespmem:v37+s3+$0x0], $0xffff;
	v8 =	vadd.f32 v8, v15  }
0x15c: {  	v19 =	vor.u32 $0x4, v4;
	v21 =	vor.u32 $0x4, v5;
	v22 =	vor.u32 $0x4, v6;
	v34 =	vld.idx.msk [tilespmem:v34+s3+$0x0], $0xffff  }
0x15d: {  	v23 =	vor.u32 $0x4, v7;
	v0 =	vld.idx.msk [tilespmem:v0+s3+$0x0], $0xffff;
	v10 =	vadd.f32 v12, v10;
	v8 =	vmul.f32 $1.442695020e+00, v8  }
0x15e: {  	v36 =	vor.u32 $0x1, v27;
	v38 =	vor.u32 $0x1, v53;
	v11 =	vor.u32 $0x3, v27;
	v29 =	vld.idx.msk [tilespmem:v29+s3+$0x0], $0xffff  }
0x15f: {  	v39 =	vor.u32 $0x5, v4;
	v26 =	vld.idx.msk [tilespmem:v26+s3+$0x0], $0xffff;
	(erf) = vpow2.f32 v8;
	v8 =	vmul.f32 $1.442695020e+00, v10  }
0x160: {  	v40 =	vor.u32 $0x5, v5;
	v41 =	vor.u32 $0x5, v6;
	v42 =	vor.u32 $0x5, v7;
	v24 =	vld.idx.msk [tilespmem:v24+s3+$0x0], $0xffff  }
0x161: {  	v30 =	vor.u32 $0x6, v2;
	v15 =	vld [tilespmem:s31+$0xFFFFFFF0];
	v9 =	vadd.f32 v9, v14;
	(erf) = vpow2.f32 v8  }
0x162: {  	v31 =	vor.u32 $0x2, v27;
	v28 =	vor.u32 $0x6, v4;
	v10 =	vld [tilespmem:s31+$0xFFFFFFC0];
	v0 =	vadd.f32 v1, v0  }
0x163: {  	v25 =	vor.u32 $0x6, v6;
	v11 =	vld.idx.msk [tilespmem:v11+s3+$0x0], $0xffff;
	v60 =	vmul.f32 $1.442695020e+00, v9;
	v9 =	vor.u32 $0x7, v3  }
0x164: {  	v20 =	vor.u32 $0x6, v35;
	v12 =	vor.u32 $0x6, v3;
	v3 =	vld.idx.msk [tilespmem:v22+s3+$0x0], $0xffff;
	v0 =	vmul.f32 $1.442695020e+00, v0  }
0x165: {  	v13 =	vor.u32 $0x7, v2;
	v16 =	vor.u32 $0x5, v2;
	v1 =	vld.idx.msk [tilespmem:v21+s3+$0x0], $0xffff;
	(erf) = vpow2.f32 v60  }
0x166: {  	v14 =	vshll.u32 v43, $0x3;
	v8 =	vld.idx.msk [tilespmem:v18+s3+$0x0], $0xffff;
	(erf) = vpow2.f32 v0;
	v0 =	vshll.u32 v15, $0x3  }
0x167: {  	v47 =	vor.u32 $0x1, v14;
	v55 =	vor.u32 $0x2, v14;
	v18 =	vld.idx.msk [tilespmem:v19+s3+$0x0], $0xffff;
	v2 =	vshll.u32 v10, $0x3  }
0x168: {  	v22 =	vor.u32 $0x7, v4;
	v21 =	vor.u32 $0x7, v5;
	v19 =	vshll.u32 v45, $0x3;
	v9 =	vld.idx.msk [tilespmem:v9+s3+$0x0], $0xffff  }
0x169: {  	v52 =	vor.u32 $0x1, v19;
	v32 =	vor.u32 $0x2, v19;
	v10 =	vor.u32 $0x3, v53;
	v53 =	vld.idx.msk [tilespmem:v53+s3+$0x0], $0xffff;
	v17 =	vpop (erf)  }
0x16a: {  	v43 =	vld.idx.msk [tilespmem:v23+s3+$0x0], $0xffff;
	v15 =	vshll.u32 v44, $0x3;
	v44 =	vor.u32 $0x1, v0;
	v49 =	vor.u32 $0x1, v2;
	v61 =	vpop (erf)  }
0x16b: {  	v45 =	vor.u32 $0x1, v15;
	v4 =	vld.idx.msk [tilespmem:v0+s3+$0x0], $0xffff;
	v17 =	vadd.f32 $1.000000000e+00, v17;
	v63 =	vadd.f32 $1.000000000e+00, v61  }
0x16c: {  	v54 =	vor.u32 $0x2, v0;
	v60 =	vor.u32 $0x2, v15;
	v23 =	vor.u32 $0x3, v0;
	v56 =	vld.idx.msk [tilespmem:v2+s3+$0x0], $0xffff  }
0x16d: {  	v9 =	vadd.f32 v9, v11;
	v0 =	vadd.f32 v8, v50;
	v8 =	vld.idx.msk [tilespmem:v19+s3+$0x0], $0xffff;
	(erf) = vrcp.f32 v17  }
0x16e: {  	v51 =	vor.u32 $0x2, v2;
	v27 =	vor.u32 $0x3, v2;
	v2 =	vld.idx.msk [tilespmem:v14+s3+$0x0], $0xffff;
	v53 =	vadd.f32 v18, v53;
	v61 =	vpop (erf)  }
0x16f: {  	v9 =	vmul.f32 $1.442695020e+00, v9;
	v49 =	vld.idx.msk [tilespmem:v49+s3+$0x0], $0xffff;
	v5 =	vadd.f32 $1.000000000e+00, v61;
	(erf) = vrcp.f32 v63;
	v63 =	vpop (erf)  }
0x170: {  	v17 =	vor.u32 $0x3, v14;
	v14 =	vor.u32 $0x7, v6;
	v6 =	vld.idx.msk [tilespmem:v15+s3+$0x0], $0xffff;
	v50 =	vadd.f32 $1.000000000e+00, v63  }
0x171: {  	v0 =	vmul.f32 $1.442695020e+00, v0;
	(erf) = vrcp.f32 v5;
	v61 =	vadd.f32 v46, v56;
	v46 =	vld.idx.msk [tilespmem:v16+s3+$0x0], $0xffff  }
0x172: {  	v18 =	vor.u32 $0x7, v7;
	v7 =	vld.idx.msk [tilespmem:v36+s3+$0x0], $0xffff;
	v63 =	vmul.f32 $1.442695020e+00, v53;
	(erf) = vrcp.f32 v50  }
0x173: {  	v19 =	vor.u32 $0x3, v19;
	v56 =	vld.idx.msk [tilespmem:v39+s3+$0x0], $0xffff;
	v5 =	vmul.f32 $1.442695020e+00, v61;
	(erf) = vpow2.f32 v0  }
0x174: {  	v2 =	vadd.f32 v3, v2;
	v50 =	vadd.f32 v1, v4;
	v1 =	vld.idx.msk [tilespmem:v38+s3+$0x0], $0xffff;
	(erf) = vpow2.f32 v63  }
0x175: {  	v53 =	vadd.f32 v43, v6;
	v63 =	vadd.f32 v48, v8;
	v8 =	vld.idx.msk [tilespmem:v44+s3+$0x0], $0xffff;
	(erf) = vpow2.f32 v5  }
0x176: {  	v2 =	vmul.f32 $1.442695020e+00, v2;
	v43 =	vadd.f32 v46, v49;
	v61 =	vpop (erf);
	v0 =	vmul.f32 $1.442695020e+00, v50;
	v44 =	vld.idx.msk [tilespmem:v40+s3+$0x0], $0xffff  }
0x177: {  	v47 =	vld.idx.msk [tilespmem:v47+s3+$0x0], $0xffff;
	v15 =	vor.u32 $0x3, v15;
	v3 =	vmul.f32 $1.442695020e+00, v53;
	v5 =	vmul.f32 v61, v59  }
0x178: {  	v55 =	vld.idx.msk [tilespmem:v55+s3+$0x0], $0xffff;
	v16 =	vor.u32 $0x7, v35;
	v35 =	vmul.f32 $1.442695020e+00, v43;
	(erf) = vpow2.f32 v0  }
0x179: {  	v49 =	vld.idx.msk [tilespmem:v41+s3+$0x0], $0xffff;
	v48 =	vadd.f32 v37, v7;
	v6 =	vmul.f32 $1.442695020e+00, v63;
	v46 =	vpop (erf);
	(erf) = vpow2.f32 v2  }
0x17a: {  	v53 =	vld.idx.msk [tilespmem:v45+s3+$0x0], $0xffff;
	v0 =	vmul.f32 v46, v62;
	v50 =	vpop (erf);
	v1 =	vadd.f32 v56, v1;
	(erf) = vpow2.f32 v3  }
0x17b: {  	v2 =	vmul.f32 $1.442695020e+00, v48;
	v56 =	vld.idx.msk [tilespmem:v42+s3+$0x0], $0xffff;
	(erf) = vpow2.f32 v6;
	v8 =	vadd.f32 v44, v8;
	v61 =	vpop (erf)  }
0x17c: {  	v63 =	vld.idx.msk [tilespmem:v52+s3+$0x0], $0xffff;
	v5 =	vsub.f32 v33, v5;
	v1 =	vmul.f32 $1.442695020e+00, v1;
	(erf) = vpow2.f32 v35;
	v42 =	vpop (erf)  }
0x17d: {  	v46 =	vld.idx.msk [tilespmem:v30+s3+$0x0], $0xffff;
	(erf) = vpow2.f32 v2;
	v8 =	vmul.f32 $1.442695020e+00, v8;
	v43 =	vpop (erf);
	v35 =	vadd.f32 $1.000000000e+00, v42  }
0x17e: {  	v30 =	vld.idx.msk [tilespmem:v31+s3+$0x0], $0xffff;
	v3 =	vmul.f32 v50, v58;
	v7 =	vadd.f32 v49, v47;
	v45 =	vpop (erf);
	(erf) = vpow2.f32 v1  }
0x17f: {  	v0 =	vsub.f32 v5, v0;
	v44 =	vld.idx.msk [tilespmem:v51+s3+$0x0], $0xffff;
	v47 =	vadd.f32 $1.000000000e+00, v45;
	(erf) = vrcp.f32 v35  }
0x180: {  	v31 =	vld.idx.msk [tilespmem:v12+s3+$0x0], $0xffff;
	v7 =	vmul.f32 $1.442695020e+00, v7;
	v4 =	vadd.f32 v56, v53;
	(erf) = vpow2.f32 v8  }
0x181: {  	v21 =	vld.idx.msk [tilespmem:v21+s3+$0x0], $0xffff;
	v0 =	vsub.f32 v0, v3;
	v2 =	vadd.f32 $1.000000000e+00, v43;
	v8 =	vpop (erf);
	(erf) = vrcp.f32 v47  }
0x182: {  	v51 =	vld.idx.msk [tilespmem:v28+s3+$0x0], $0xffff;
	v6 =	vadd.f32 v34, v63;
	v4 =	vmul.f32 $1.442695020e+00, v4;
	v48 =	vpop (erf);
	(erf) = vpow2.f32 v7  }
0x183: {  	v5 =	vmul.f32 v61, v57;
	v56 =	vld.idx.msk [tilespmem:v25+s3+$0x0], $0xffff;
	v49 =	vadd.f32 $1.000000000e+00, v8;
	v50 =	vpop (erf);
	(erf) = vrcp.f32 v2  }
0x184: {  	v23 =	vld.idx.msk [tilespmem:v23+s3+$0x0], $0xffff;
	v6 =	vmul.f32 $1.442695020e+00, v6;
	v1 =	vadd.f32 v46, v44;
	v52 =	vpop (erf);
	(erf) = vpow2.f32 v4  }
0x185: {  	v30 =	vadd.f32 v31, v30;
	v8 =	vld.idx.msk [tilespmem:v54+s3+$0x0], $0xffff;
	v3 =	vadd.f32 $1.000000000e+00, v48;
	v54 =	vpop (erf);
	(erf) = vrcp.f32 v49  }
0x186: {  	v20 =	vld.idx.msk [tilespmem:v20+s3+$0x0], $0xffff;
	v12 =	vsub.f32 v0, v5;
	v1 =	vmul.f32 $1.442695020e+00, v1;
	v28 =	vpop (erf);
	(erf) = vpow2.f32 v6  }
0x187: {  	v63 =	vld.idx.msk [tilespmem:v32+s3+$0x0], $0xffff;
	v30 =	vmul.f32 $1.442695020e+00, v30;
	v53 =	vadd.f32 $1.000000000e+00, v50;
	v57 =	vpop (erf);
	(erf) = vrcp.f32 v3  }
0x188: {  	v60 =	vld.idx.msk [tilespmem:v60+s3+$0x0], $0xffff;
	v0 =	vadd.f32 v56, v55;
	v7 =	vadd.f32 v51, v29;
	(erf) = vpow2.f32 v1;
	v61 =	vpop (erf)  }
0x189: {  	v48 =	vld.idx.msk [tilespmem:v19+s3+$0x0], $0xffff;
	v19 =	vadd.f32 v21, v23;
	v2 =	vadd.f32 $1.000000000e+00, v52;
	v29 =	vpop (erf);
	(erf) = vrcp.f32 v53  }
0x18a: {  	v7 =	vmul.f32 $1.442695020e+00, v7;
	v8 =	vadd.f32 v26, v8;
	v34 =	vpop (erf);
	(erf) = vpow2.f32 v30  }
0x18b: {  	v13 =	vld.idx.msk [tilespmem:v13+s3+$0x0], $0xffff;
	v0 =	vmul.f32 $1.442695020e+00, v0;
	v5 =	vadd.f32 $1.000000000e+00, v54;
	v30 =	vpop (erf);
	(erf) = vrcp.f32 v2  }
0x18c: {  	v35 =	vld.idx.msk [tilespmem:v27+s3+$0x0], $0xffff;
	v4 =	vadd.f32 v20, v63;
	v8 =	vmul.f32 $1.442695020e+00, v8;
	v36 =	vpop (erf);
	(erf) = vpow2.f32 v7  }
0x18d: {  	v49 =	vmul.f32 $1.442695020e+00, v19;
	v28 =	vadd.f32 $1.000000000e+00, v28;
	(erf) = vrcp.f32 v5;
	v38 =	vpop (erf)  }
0x18e: {  	v10 =	vld.idx.msk [tilespmem:v10+s3+$0x0], $0xffff;
	v4 =	vmul.f32 $1.442695020e+00, v4;
	v3 =	vadd.f32 v24, v60;
	v39 =	vpop (erf);
	(erf) = vpow2.f32 v8  }
0x18f: {  	v42 =	vld.idx.msk [tilespmem:v22+s3+$0x0], $0xffff;
	v25 =	vadd.f32 $1.000000000e+00, v57;
	v1 =	vmul.f32 v61, v59;
	(erf) = vrcp.f32 v28;
	v40 =	vpop (erf)  }
0x190: {  	v3 =	vmul.f32 $1.442695020e+00, v3;
	v37 =	vadd.f32 $1.000000000e+00, v29;
	v20 =	vpop (erf);
	(erf) = vpow2.f32 v0  }
0x191: {  	v26 =	vmul.f32 v34, v59;
	v2 =	vadd.f32 v13, v35;
	v22 =	vpop (erf);
	(erf) = vrcp.f32 v25  }
0x192: {  	v31 =	vmov v62;
	v6 =	vmul.f32 v36, v59;
	v13 =	vpop (erf);
	(erf) = vpow2.f32 v3  }
0x193: {  	v16 =	vld.idx.msk [tilespmem:v16+s3+$0x0], $0xffff;
	v2 =	vmul.f32 $1.442695020e+00, v2;
	v8 =	vadd.f32 $1.000000000e+00, v30;
	v44 =	vpop (erf);
	(erf) = vrcp.f32 v37  }
0x194: {  	v45 =	vld.idx.msk [tilespmem:v17+s3+$0x0], $0xffff;
	v5 =	vadd.f32 v42, v10;
	v24 =	vmul.f32 v39, v59;
	v11 =	vpop (erf);
	(erf) = vpow2.f32 v4  }
0x195: {  	v41 =	vadd.f32 $1.000000000e+00, v38;
	v46 =	vmul.f32 v13, v59;
	v13 =	vld.idx.msk [tilespmem:v14+s3+$0x0], $0xffff;
	v17 =	vpop (erf);
	(erf) = vrcp.f32 v8  }
0x196: {  	v1 =	vsub.f32 v33, v1;
	v5 =	vmul.f32 $1.442695020e+00, v5;
	v8 =	vld.idx.msk [tilespmem:v15+s3+$0x0], $0xffff;
	v10 =	vpop (erf);
	(erf) = vpow2.f32 v2  }
0x197: {  	v43 =	vadd.f32 $1.000000000e+00, v40;
	v47 =	vmul.f32 v11, v59;
	v11 =	vld.idx.msk [tilespmem:v18+s3+$0x0], $0xffff;
	v18 =	vpop (erf);
	(erf) = vrcp.f32 v41  }
0x198: {  	v6 =	vsub.f32 v33, v6;
	v22 =	vadd.f32 $1.000000000e+00, v22;
	v21 =	vpop (erf);
	(erf) = vpow2.f32 v9  }
0x199: {  	v14 =	vadd.f32 $1.000000000e+00, v44;
	v9 =	vadd.f32 $1.000000000e+00, v17;
	v17 =	vpop (erf);
	(erf) = vrcp.f32 v43  }
0x19a: {  	v0 =	vadd.f32 v16, v48;
	v7 =	vadd.f32 v13, v45;
	v13 =	vpop (erf);
	(erf) = vpow2.f32 v5  }
0x19b: {  	v20 =	vmul.f32 v20, v59;
	v50 =	vadd.f32 $1.000000000e+00, v18;
	(erf) = vrcp.f32 v22;
	v18 =	vpop (erf)  }
0x19c: {  	v7 =	vmul.f32 $1.442695020e+00, v7;
	v8 =	vadd.f32 v11, v8;
	v11 =	vpop (erf);
	(erf) = vpow2.f32 v49  }
0x19d: {  	v19 =	vsub.f32 v33, v24;
	v0 =	vmul.f32 $1.442695020e+00, v0;
	(erf) = vrcp.f32 v14;
	v14 =	vpop (erf)  }
0x19e: {  	v20 =	vsub.f32 v33, v20;
	v8 =	vmul.f32 $1.442695020e+00, v8;
	v16 =	vpop (erf);
	(erf) = vpow2.f32 v7  }
0x19f: {  	v15 =	vsub.f32 v33, v26;
	v51 =	vadd.f32 $1.000000000e+00, v17;
	v17 =	vpop (erf);
	(erf) = vrcp.f32 v9  }
0x1a0: {  	v53 =	vmul.f32 v10, v62;
	v52 =	vadd.f32 $1.000000000e+00, v18;
	v18 =	vpop (erf);
	(erf) = vpow2.f32 v8  }
0x1a1: {  	v4 =	vsub.f32 v33, v46;
	v21 =	vmul.f32 v21, v62;
	v9 =	vpop (erf);
	(erf) = vrcp.f32 v50  }
0x1a2: {  	v2 =	vsub.f32 v33, v47;
	v55 =	vmul.f32 v13, v62;
	v10 =	vpop (erf);
	(erf) = vpow2.f32 v0  }
0x1a3: {  	v56 =	vmul.f32 v11, v62;
	v14 =	vadd.f32 $1.000000000e+00, v14;
	v54 =	vadd.f32 $1.000000000e+00, v9;
	v9 =	vpop (erf)  }
0x1a4: {  	v11 =	vmul.f32 v16, v62;
	v16 =	vsub.f32 v6, v55;
	(erf) = vrcp.f32 v51;
	v22 =	vpop (erf)  }
0x1a5: {  	v8 =	vadd.f32 $1.000000000e+00, v17;
	v60 =	vmul.f32 v18, v62;
	(erf) = vrcp.f32 v52;
	v57 =	vpop (erf)  }
0x1a6: {  	v11 =	vsub.f32 v20, v11;
	v13 =	vadd.f32 $1.000000000e+00, v9;
	(erf) = vrcp.f32 v14;
	v17 =	vpop (erf)  }
0x1a7: {  	v9 =	vsub.f32 v15, v53;
	v15 =	vsub.f32 v4, v60;
	(erf) = vrcp.f32 v8;
	v61 =	vpop (erf)  }
0x1a8: {  	v14 =	vsub.f32 v1, v21;
	v7 =	vadd.f32 $1.000000000e+00, v57;
	(erf) = vrcp.f32 v54;
	v18 =	vpop (erf)  }
0x1a9: {  	s0 =	simm.s32 $0x1B5C0;
	v8 =	vmul.f32 v10, v62;
	v0 =	vadd.f32 $1.000000000e+00, v61;
	(erf) = vrcp.f32 v13;
	v63 =	vpop (erf)  }
0x1aa: {  	[tilespmem:s0+$0x30] =	vst v12;
	v12 =	vmul.f32 v22, v58;
	v10 =	vsub.f32 v19, v56;
	(erf) = vrcp.f32 v7;
	v19 =	vpop (erf)  }
0x1ab: {  	s8 =	simm.s32 $0x16B40;
	s2 =	simm.s32 $0x1B5C0;
	s6 =	simm.s32 $0x0;
	v13 =	vsub.f32 v2, v8;
	v20 =	vadd.f32 $1.000000000e+00, v63;
	(erf) = vrcp.f32 v0;
	v21 =	vpop (erf)  }
.LBB2_5:
0x1ac: {  	v0 =	vld [tilespmem:s8+$0x30]  }
0x1ad: {  	v29 =	vld [tilespmem:$0x1FF90];
	s1 =	sadd.s32 $0x80, s1  }
0x1ae: {  	v4 =	vld [tilespmem:s1+$0x30]  }
0x1af: {  	v8 =	vld [tilespmem:s1+$0xFFFFFFC0]  }
0x1b0: {  	v2 =	vadd.f32 $1.000000000e+00, v21;
	v3 =	vpop (erf);
	(erf) = vrcp.f32 v20;
	v20 =	vld [tilespmem:$0x1FFA0]  }
0x1b1: {  	v35 =	vld [tilespmem:s1+$0xFFFFFFD0];
	v7 =	vpop (erf)  }
0x1b2: {  	v60 =	vld [tilespmem:s1+$0x10];
	v34 =	vpop (erf);
	(erf) = vrcp.f32 v2;
	v1 =	vmul.f32 v17, v29  }
0x1b3: {  	v41 =	vld [tilespmem:s8+$0x0];
	v43 =	vpop (erf);
	v5 =	vmul.f32 v18, v29;
	v6 =	vmul.f32 v19, v29  }
0x1b4: {  	v26 =	vsub.f32 v9, v12;
	v47 =	vld [tilespmem:s1+$0xFFFFFFF0];
	v9 =	vmul.f32 v3, v29;
	v39 =	vmul.f32 v7, v29;
	v46 =	vpop (erf)  }
0x1b5: {  	v58 =	vld [tilespmem:s1+$0x0];
	v3 =	vmul.f32 v34, v29;
	v0 =	vshll.u32 v0, $0x3;
	v42 =	vmul.f32 v46, v20  }
0x1b6: {  	v4 =	vshll.u32 v4, $0x3;
	v63 =	vshll.u32 v8, $0x3;
	v37 =	vsub.f32 v14, v1;
	v14 =	vld [tilespmem:s1+$0xFFFFFFE0]  }
0x1b7: {  	v17 =	vld [tilespmem:s8+$0xFFFFFFE0];
	v2 =	vshll.u32 v35, $0x3;
	v21 =	vor.u32 $0x2, v0;
	v7 =	vshll.u32 v60, $0x3  }
0x1b8: {  	v46 =	vld [tilespmem:s8+$0x20];
	v60 =	vshll.u32 v41, $0x3;
	v5 =	vsub.f32 v16, v5;
	v6 =	vsub.f32 v10, v6  }
0x1b9: {  	v57 =	vpop (erf);
	v44 =	vsub.f32 v11, v9;
	v3 =	vsub.f32 v13, v3;
	v8 =	vor.u32 $0x4, v4;
	v13 =	vld [tilespmem:s1+$0x20]  }
0x1ba: {  	v36 =	vmul.f32 v57, v20;
	v62 =	vpop (erf);
	v16 =	vld [tilespmem:s8+$0xFFFFFFD0];
	[tilespmem:$0x1FDD0] =	vst v5;
	v5 =	vsub.f32 v15, v39;
	v15 =	vor.u32 $0x1, v0  }
0x1bb: {  	v1 =	vmul.f32 v62, v20;
	v62 =	vld [tilespmem:s8+$0xFFFFFFF0];
	v19 =	vshll.u32 v14, $0x3;
	v14 =	vor.u32 $0x5, v4  }
0x1bc: {  	v61 =	vor.u32 $0x4, v63;
	v18 =	vor.u32 $0x4, v2;
	v25 =	vor.u32 $0x6, v4;
	v23 =	vld.idx.msk [tilespmem:v0+s3+$0x0], $0xffff  }
0x1bd: {  	v28 =	vor.u32 $0x4, v7;
	v56 =	vor.u32 $0x5, v2;
	v52 =	vshll.u32 v17, $0x3;
	v17 =	vld.idx.msk [tilespmem:v21+s3+$0x0], $0xffff  }
0x1be: {  	v40 =	vor.u32 $0x6, v63;
	v38 =	vor.u32 $0x6, v2;
	v0 =	vor.u32 $0x3, v0;
	v8 =	vld.idx.msk [tilespmem:v8+s3+$0x0], $0xffff  }
0x1bf: {  	v2 =	vor.u32 $0x7, v2;
	[tilespmem:$0x1FDE0] =	vst v6;
	v6 =	vshll.u32 v47, $0x3;
	v4 =	vor.u32 $0x7, v4;
	v15 =	vld.idx.msk [tilespmem:v15+s3+$0x0], $0xffff  }
0x1c0: {  	[tilespmem:$0x1FEA0] =	vst v3;
	v3 =	vshll.u32 v58, $0x3;
	v58 =	vor.u32 $0x5, v63;
	v47 =	vor.u32 $0x5, v7;
	v14 =	vld.idx.msk [tilespmem:v14+s3+$0x0], $0xffff  }
0x1c1: {  	[tilespmem:$0x1FE00] =	vst v44;
	v24 =	vor.u32 $0x4, v6;
	v27 =	vor.u32 $0x4, v3;
	v50 =	vor.u32 $0x5, v6;
	v21 =	vld.idx.msk [tilespmem:v25+s3+$0x0], $0xffff  }
0x1c2: {  	v44 =	vld [tilespmem:s8+$0x10];
	v48 =	vor.u32 $0x5, v3;
	v32 =	vor.u32 $0x6, v6;
	v9 =	vor.u32 $0x6, v3;
	[tilespmem:$0x1FE20] =	vst v5  }
0x1c3: {  	v55 =	vor.u32 $0x1, v52;
	[tilespmem:$0x1FE10] =	vst v9;
	v9 =	vor.u32 $0x6, v7;
	v5 =	vor.u32 $0x7, v63;
	v0 =	vld.idx.msk [tilespmem:v0+s3+$0x0], $0xffff  }
0x1c4: {  	v13 =	vshll.u32 v13, $0x3;
	v16 =	vshll.u32 v16, $0x3;
	v8 =	vadd.f32 v8, v23;
	v4 =	vld.idx.msk [tilespmem:v4+s3+$0x0], $0xffff  }
0x1c5: {  	[tilespmem:$0x1FE30] =	vst v9;
	v12 =	vld.idx.msk [tilespmem:v61+s3+$0x0], $0xffff;
	v22 =	vor.u32 $0x4, v19;
	v9 =	vor.u32 $0x6, v13;
	v14 =	vadd.f32 v14, v15  }
0x1c6: {  	v51 =	vpop (erf);
	v34 =	vor.u32 $0x4, v13;
	[tilespmem:$0x1FE40] =	vst v9;
	v9 =	vld.idx.msk [tilespmem:v18+s3+$0x0], $0xffff;
	v49 =	vadd.f32 v21, v17;
	v8 =	vmul.f32 $1.442695020e+00, v8  }
0x1c7: {  	v54 =	vpop (erf);
	v30 =	vor.u32 $0x1, v16;
	v39 =	vor.u32 $0x2, v16;
	v11 =	vld.idx.msk [tilespmem:v24+s3+$0x0], $0xffff;
	v15 =	vmul.f32 $1.442695020e+00, v14  }
0x1c8: {  	[tilespmem:$0x1FE70] =	vst v2;
	v57 =	vpop (erf);
	v63 =	vor.u32 $0x3, v16;
	v2 =	vmul.f32 $1.442695020e+00, v49;
	(erf) = vpow2.f32 v8;
	v8 =	vld [tilespmem:s8+$0xFFFFFFC0]  }
0x1c9: {  	v18 =	vshll.u32 v46, $0x3;
	v16 =	vld.idx.msk [tilespmem:v16+s3+$0x0], $0xffff;
	v0 =	vadd.f32 v4, v0;
	(erf) = vpow2.f32 v15  }
0x1ca: {  	v35 =	vor.u32 $0x2, v52;
	v25 =	vor.u32 $0x7, v6;
	v24 =	vld.idx.msk [tilespmem:v28+s3+$0x0], $0xffff;
	(erf) = vpow2.f32 v2  }
0x1cb: {  	[tilespmem:$0x1FE50] =	vst v5;
	v6 =	vor.u32 $0x3, v60;
	v5 =	vshll.u32 v62, $0x3;
	v61 =	vld.idx.msk [tilespmem:v22+s3+$0x0], $0xffff;
	v0 =	vmul.f32 $1.442695020e+00, v0  }
0x1cc: {  	v53 =	vor.u32 $0x5, v19;
	[tilespmem:$0x1FE60] =	vst v63;
	v62 =	vshll.u32 v44, $0x3;
	v63 =	vor.u32 $0x1, v5;
	v22 =	vld.idx.msk [tilespmem:v27+s3+$0x0], $0xffff  }
0x1cd: {  	v46 =	vor.u32 $0x2, v60;
	v10 =	vld.idx.msk [tilespmem:v34+s3+$0x0], $0xffff;
	v8 =	vshll.u32 v8, $0x3;
	(erf) = vpow2.f32 v0  }
0x1ce: {  	v44 =	vor.u32 $0x2, v62;
	v28 =	vor.u32 $0x7, v19;
	v9 =	vadd.f32 v9, v16;
	v16 =	vld.idx.msk [tilespmem:v18+s3+$0x0], $0xffff  }
0x1cf: {  	v49 =	vor.u32 $0x3, v52;
	v52 =	vld.idx.msk [tilespmem:v52+s3+$0x0], $0xffff;
	v4 =	vor.u32 $0x1, v8;
	v2 =	vor.u32 $0x3, v62  }
0x1d0: {  	v41 =	vor.u32 $0x2, v18;
	v23 =	vor.u32 $0x6, v19;
	v17 =	vor.u32 $0x1, v18;
	[tilespmem:$0x1FE90] =	vst v2;
	v2 =	vld.idx.msk [tilespmem:v5+s3+$0x0], $0xffff  }
0x1d1: {  	v27 =	vor.u32 $0x3, v5;
	[tilespmem:$0x1FE80] =	vst v49;
	v49 =	vor.u32 $0x2, v5;
	v15 =	vor.u32 $0x1, v62;
	v62 =	vld.idx.msk [tilespmem:v62+s3+$0x0], $0xffff;
	v19 =	vpop (erf)  }
0x1d2: {  	[tilespmem:$0x1FDF0] =	vst v1;
	v21 =	vor.u32 $0x2, v8;
	v34 =	vor.u32 $0x3, v8;
	v1 =	vadd.f32 $1.000000000e+00, v19;
	v8 =	vld.idx.msk [tilespmem:v8+s3+$0x0], $0xffff;
	v0 =	vpop (erf)  }
0x1d3: {  	v10 =	vadd.f32 v10, v16;
	v16 =	vld.idx.msk [tilespmem:v63+s3+$0x0], $0xffff;
	v5 =	vor.u32 $0x7, v7;
	v7 =	vadd.f32 $1.000000000e+00, v0;
	v0 =	vpop (erf)  }
0x1d4: {  	v14 =	vor.u32 $0x1, v60;
	v4 =	vld.idx.msk [tilespmem:v4+s3+$0x0], $0xffff;
	(erf) = vrcp.f32 v1;
	v0 =	vadd.f32 $1.000000000e+00, v0  }
0x1d5: {  	v19 =	vor.u32 $0x7, v3;
	v2 =	vadd.f32 v11, v2;
	v11 =	vld.idx.msk [tilespmem:v56+s3+$0x0], $0xffff;
	(erf) = vrcp.f32 v7  }
0x1d6: {  	v3 =	vmul.f32 v51, v20;
	v1 =	vld.idx.msk [tilespmem:v60+s3+$0x0], $0xffff;
	v60 =	vor.u32 $0x3, v18;
	v18 =	vpop (erf);
	(erf) = vrcp.f32 v0  }
0x1d7: {  	v51 =	vmul.f32 v54, v20;
	v54 =	vadd.f32 v12, v8;
	v8 =	vld.idx.msk [tilespmem:v58+s3+$0x0], $0xffff;
	v18 =	vadd.f32 $1.000000000e+00, v18  }
0x1d8: {  	v52 =	vadd.f32 v61, v52;
	v9 =	vmul.f32 $1.442695020e+00, v9;
	v7 =	vmul.f32 v57, v20;
	v57 =	vld.idx.msk [tilespmem:v30+s3+$0x0], $0xffff  }
0x1d9: {  	v45 =	vmul.f32 v43, v20;
	v12 =	vsub.f32 v37, v42;
	(erf) = vrcp.f32 v18;
	v18 =	vld.idx.msk [tilespmem:v53+s3+$0x0], $0xffff  }
0x1da: {  	v58 =	vmul.f32 $1.442695020e+00, v52;
	(erf) = vpow2.f32 v9;
	v9 =	vld.idx.msk [tilespmem:v55+s3+$0x0], $0xffff  }
0x1db: {  	v30 =	vmul.f32 $1.442695020e+00, v54;
	[tilespmem:s0+$0xFFFFFFD0] =	vst v12;
	v12 =	vadd.f32 v24, v62;
	v1 =	vadd.f32 v22, v1;
	v22 =	vld [tilespmem:$0x1FDD0]  }
0x1dc: {  	v26 =	vsub.f32 v26, v45;
	v10 =	vmul.f32 $1.442695020e+00, v10;
	v14 =	vld.idx.msk [tilespmem:v14+s3+$0x0], $0xffff;
	(erf) = vpow2.f32 v58  }
0x1dd: {  	v61 =	vmul.f32 $1.442695020e+00, v2;
	v4 =	vadd.f32 v8, v4;
	v8 =	vld.idx.msk [tilespmem:v50+s3+$0x0], $0xffff;
	(erf) = vpow2.f32 v30;
	v45 =	vpop (erf)  }
0x1de: {  	v24 =	vmul.f32 $1.442695020e+00, v12;
	v1 =	vmul.f32 $1.442695020e+00, v1;
	v53 =	vadd.f32 v11, v57;
	v11 =	vld.idx.msk [tilespmem:v48+s3+$0x0], $0xffff;
	v52 =	vpop (erf)  }
0x1df: {  	(erf) = vpow2.f32 v61;
	v0 =	vmul.f32 v45, v59;
	v9 =	vadd.f32 v18, v9;
	v18 =	vld [tilespmem:$0x1FDF0];
	v12 =	vpop (erf)  }
0x1e0: {  	v22 =	vsub.f32 v22, v36;
	(erf) = vpow2.f32 v1;
	v54 =	vmul.f32 v12, v29;
	v12 =	vld.idx.msk [tilespmem:v17+s3+$0x0], $0xffff  }
0x1e1: {  	v43 =	vor.u32 $0x5, v13;
	[tilespmem:s0+$0xFFFFFFC0] =	vst v26;
	v26 =	vmul.f32 $1.442695020e+00, v53;
	(erf) = vpow2.f32 v24;
	v17 =	vld [tilespmem:$0x1FDE0]  }
0x1e2: {  	v15 =	vld.idx.msk [tilespmem:v15+s3+$0x0], $0xffff;
	v0 =	vsub.f32 v33, v0;
	[tilespmem:s0+$0xFFFFFFE0] =	vst v22;
	v22 =	vmul.f32 $1.442695020e+00, v4;
	v2 =	vmul.f32 v52, v31  }
0x1e3: {  	v62 =	vld.idx.msk [tilespmem:v38+s3+$0x0], $0xffff;
	v8 =	vadd.f32 v8, v16;
	v9 =	vmul.f32 $1.442695020e+00, v9;
	(erf) = vpow2.f32 v10;
	v55 =	vpop (erf)  }
0x1e4: {  	v38 =	vld [tilespmem:$0x1FE10];
	v11 =	vadd.f32 v11, v14;
	v0 =	vsub.f32 v0, v2;
	(erf) = vpow2.f32 v22;
	v56 =	vpop (erf)  }
0x1e5: {  	v10 =	vld.idx.msk [tilespmem:v47+s3+$0x0], $0xffff;
	v20 =	vmul.f32 v55, v20;
	(erf) = vpow2.f32 v26;
	v57 =	vpop (erf);
	v2 =	vadd.f32 $1.000000000e+00, v56  }
0x1e6: {  	v58 =	vpop (erf);
	(erf) = vpow2.f32 v9;
	v17 =	vsub.f32 v17, v18;
	v18 =	vld.idx.msk [tilespmem:v21+s3+$0x0], $0xffff;
	v21 =	vmul.f32 $1.442695020e+00, v8  }
0x1e7: {  	v16 =	vld.idx.msk [tilespmem:v43+s3+$0x0], $0xffff;
	v0 =	vsub.f32 v0, v54;
	v22 =	vadd.f32 $1.000000000e+00, v58;
	(erf) = vrcp.f32 v2  }
0x1e8: {  	v63 =	vmul.f32 $1.442695020e+00, v11;
	v61 =	vpop (erf);
	[tilespmem:s0+$0xFFFFFFF0] =	vst v17;
	v17 =	vld.idx.msk [tilespmem:v40+s3+$0x0], $0xffff;
	(erf) = vpow2.f32 v21  }
0x1e9: {  	v14 =	vld.idx.msk [tilespmem:v35+s3+$0x0], $0xffff;
	v20 =	vsub.f32 v0, v20;
	v8 =	vpop (erf);
	(erf) = vrcp.f32 v22  }
0x1ea: {  	v9 =	vld.idx.msk [tilespmem:v39+s3+$0x0], $0xffff;
	v10 =	vadd.f32 v10, v15;
	v35 =	vpop (erf);
	(erf) = vpow2.f32 v63  }
0x1eb: {  	v4 =	vadd.f32 $1.000000000e+00, v57;
	v15 =	vld.idx.msk [tilespmem:v23+s3+$0x0], $0xffff  }
0x1ec: {  	v12 =	vadd.f32 v16, v12;
	s0 =	sadd.s32 $0x80, s0;
	v10 =	vmul.f32 $1.442695020e+00, v10;
	v16 =	vld.idx.msk [tilespmem:v49+s3+$0x0], $0xffff;
	v11 =	vpop (erf)  }
0x1ed: {  	[tilespmem:s0+$0x30] =	vst v20;
	v20 =	vpop (erf);
	(erf) = vrcp.f32 v4;
	v36 =	vadd.f32 v17, v18;
	v17 =	vld.idx.msk [tilespmem:v32+s3+$0x0], $0xffff  }
0x1ee: {  	v37 =	vld [tilespmem:$0x1FE00];
	v0 =	vadd.f32 $1.000000000e+00, v61;
	(erf) = vpow2.f32 v10;
	v10 =	vadd.f32 $1.000000000e+00, v20;
	v20 =	vpop (erf)  }
0x1ef: {  	v45 =	vld [tilespmem:$0x1FE60];
	v12 =	vmul.f32 $1.442695020e+00, v12;
	v2 =	vadd.f32 v62, v9;
	v9 =	vadd.f32 $1.000000000e+00, v20;
	v20 =	vpop (erf)  }
0x1f0: {  	v39 =	vld [tilespmem:$0x1FE20];
	v8 =	vadd.f32 $1.000000000e+00, v8;
	(erf) = vrcp.f32 v0;
	v40 =	vpop (erf)  }
0x1f1: {  	v4 =	vld.idx.msk [tilespmem:v38+s3+$0x0], $0xffff;
	(erf) = vpow2.f32 v12;
	v21 =	vmul.f32 $1.442695020e+00, v36;
	v22 =	vpop (erf)  }
0x1f2: {  	(erf) = vrcp.f32 v8;
	v8 =	vadd.f32 v15, v14;
	v14 =	vld [tilespmem:$0x1FE30];
	v43 =	vadd.f32 v17, v16;
	v16 =	vpop (erf)  }
0x1f3: {  	v1 =	vadd.f32 $1.000000000e+00, v35;
	v18 =	vld.idx.msk [tilespmem:v46+s3+$0x0], $0xffff;
	v17 =	vadd.f32 $1.000000000e+00, v22;
	v22 =	vpop (erf)  }
0x1f4: {  	v2 =	vmul.f32 $1.442695020e+00, v2;
	(erf) = vpow2.f32 v21;
	v21 =	vadd.f32 $1.000000000e+00, v22;
	v22 =	vld [tilespmem:$0x1FE70]  }
0x1f5: {  	v11 =	vadd.f32 $1.000000000e+00, v11;
	v42 =	vmul.f32 $1.442695020e+00, v8;
	v8 =	vld [tilespmem:$0x1FE40];
	(erf) = vrcp.f32 v1  }
0x1f6: {  	v46 =	vld [tilespmem:$0x1FE80];
	(erf) = vpow2.f32 v2  }
0x1f7: {  	v0 =	vsub.f32 v37, v3;
	(erf) = vrcp.f32 v11;
	v11 =	vld [tilespmem:$0x1FE50]  }
0x1f8: {  	v12 =	vld.idx.msk [tilespmem:v44+s3+$0x0], $0xffff  }
0x1f9: {  	[tilespmem:s2+$0x0] =	vst v0;
	v0 =	vsub.f32 v39, v51;
	v15 =	vadd.f32 $1.000000000e+00, v20;
	v20 =	vld.idx.msk [tilespmem:v41+s3+$0x0], $0xffff  }
0x1fa: {  	v14 =	vld.idx.msk [tilespmem:v14+s3+$0x0], $0xffff  }
0x1fb: {  	[tilespmem:s2+$0x10] =	vst v0;
	v0 =	vld.idx.msk [tilespmem:v45+s3+$0x0], $0xffff  }
0x1fc: {  	v22 =	vld.idx.msk [tilespmem:v22+s3+$0x0], $0xffff  }
0x1fd: {  	v3 =	vmul.f32 v40, v59;
	v44 =	vmul.f32 v16, v59;
	v8 =	vld.idx.msk [tilespmem:v8+s3+$0x0], $0xffff  }
0x1fe: {  	v4 =	vadd.f32 v4, v18;
	v16 =	vld.idx.msk [tilespmem:v34+s3+$0x0], $0xffff;
	v1 =	vmul.f32 $1.442695020e+00, v43;
	v18 =	vpop (erf);
	(erf) = vpow2.f32 v42  }
0x1ff: {  	v13 =	vor.u32 $0x7, v13;
	v52 =	vsub.f32 v33, v3;
	(erf) = vrcp.f32 v10;
	v10 =	vpop (erf);
	v11 =	vld.idx.msk [tilespmem:v11+s3+$0x0], $0xffff  }
0x200: {  	v4 =	vmul.f32 $1.442695020e+00, v4;
	v12 =	vadd.f32 v14, v12;
	v14 =	vpop (erf);
	(erf) = vpow2.f32 v1  }
0x201: {  	v18 =	vmul.f32 v18, v59;
	(erf) = vrcp.f32 v9;
	v9 =	vpop (erf);
	v0 =	vadd.f32 v22, v0;
	v22 =	vld [tilespmem:$0x1FE90]  }
0x202: {  	v23 =	vld.idx.msk [tilespmem:v28+s3+$0x0], $0xffff;
	v12 =	vmul.f32 $1.442695020e+00, v12;
	v8 =	vadd.f32 v8, v20;
	v20 =	vpop (erf);
	(erf) = vpow2.f32 v4  }
0x203: {  	v2 =	vsub.f32 v33, v44;
	v10 =	vadd.f32 $1.000000000e+00, v10;
	v1 =	vld.idx.msk [tilespmem:v46+s3+$0x0], $0xffff;
	v48 =	vpop (erf);
	(erf) = vrcp.f32 v15  }
0x204: {  	v47 =	vld.idx.msk [tilespmem:v27+s3+$0x0], $0xffff;
	v8 =	vmul.f32 $1.442695020e+00, v8;
	v11 =	vadd.f32 v11, v16;
	v16 =	vpop (erf);
	(erf) = vpow2.f32 v12  }
0x205: {  	v54 =	vsub.f32 v33, v18;
	v14 =	vmul.f32 v14, v59;
	v15 =	vld.idx.msk [tilespmem:v25+s3+$0x0], $0xffff;
	v49 =	vpop (erf);
	(erf) = vrcp.f32 v17  }
0x206: {  	v9 =	vadd.f32 $1.000000000e+00, v9;
	v17 =	vld.idx.msk [tilespmem:v19+s3+$0x0], $0xffff;
	v11 =	vmul.f32 $1.442695020e+00, v11;
	v19 =	vpop (erf);
	(erf) = vpow2.f32 v8  }
0x207: {  	v6 =	vld.idx.msk [tilespmem:v6+s3+$0x0], $0xffff;
	v20 =	vmul.f32 v20, v59;
	v55 =	vsub.f32 v33, v14;
	v50 =	vpop (erf);
	(erf) = vrcp.f32 v21  }
0x208: {  	v5 =	vld.idx.msk [tilespmem:v5+s3+$0x0], $0xffff;
	v1 =	vadd.f32 v23, v1;
	v0 =	vmul.f32 $1.442695020e+00, v0;
	v21 =	vpop (erf);
	(erf) = vpow2.f32 v11  }
0x209: {  	v12 =	vadd.f32 $1.000000000e+00, v48;
	v56 =	vsub.f32 v33, v20;
	v51 =	vpop (erf);
	(erf) = vrcp.f32 v10;
	v22 =	vld.idx.msk [tilespmem:v22+s3+$0x0], $0xffff  }
0x20a: {  	v1 =	vmul.f32 $1.442695020e+00, v1;
	v4 =	vadd.f32 v15, v47;
	v10 =	vld.idx.msk [tilespmem:v13+s3+$0x0], $0xffff;
	v13 =	vpop (erf);
	(erf) = vpow2.f32 v0  }
0x20b: {  	v23 =	vld.idx.msk [tilespmem:v60+s3+$0x0], $0xffff;
	v16 =	vmul.f32 v16, v59;
	v8 =	vadd.f32 $1.000000000e+00, v49;
	v15 =	vpop (erf);
	(erf) = vrcp.f32 v9  }
0x20c: {  	v4 =	vmul.f32 $1.442695020e+00, v4;
	v6 =	vadd.f32 v17, v6;
	v9 =	vpop (erf);
	(erf) = vpow2.f32 v1  }
0x20d: {  	v19 =	vmul.f32 v19, v59;
	v57 =	vsub.f32 v33, v16;
	(erf) = vrcp.f32 v12;
	v12 =	vpop (erf)  }
0x20e: {  	v6 =	vmul.f32 $1.442695020e+00, v6;
	v17 =	vpop (erf);
	(erf) = vpow2.f32 v4;
	v5 =	vadd.f32 v5, v22  }
0x20f: {  	v11 =	vadd.f32 $1.000000000e+00, v50;
	v20 =	vmul.f32 v21, v31;
	(erf) = vrcp.f32 v8;
	v8 =	vpop (erf)  }
0x210: {  	v10 =	vadd.f32 v10, v23;
	v14 =	vpop (erf);
	(erf) = vpow2.f32 v6;
	v5 =	vmul.f32 $1.442695020e+00, v5  }
0x211: {  	v53 =	vadd.f32 $1.000000000e+00, v51;
	v15 =	vadd.f32 $1.000000000e+00, v15;
	v18 =	vpop (erf);
	(erf) = vrcp.f32 v11  }
0x212: {  	v10 =	vmul.f32 $1.442695020e+00, v10;
	v11 =	vadd.f32 $1.000000000e+00, v18;
	v18 =	vpop (erf);
	(erf) = vpow2.f32 v5  }
0x213: {  	v12 =	vadd.f32 $1.000000000e+00, v12;
	v58 =	vmul.f32 v17, v31;
	v16 =	vpop (erf);
	(erf) = vrcp.f32 v53  }
0x214: {  	v22 =	vsub.f32 v33, v19;
	v61 =	vmul.f32 v14, v31;
	v19 =	vpop (erf);
	(erf) = vpow2.f32 v10  }
0x215: {  	v8 =	vadd.f32 $1.000000000e+00, v8;
	v10 =	vmul.f32 v13, v31;
	v13 =	vpop (erf);
	(erf) = vrcp.f32 v15;
	v15 =	vld [tilespmem:$0x1FEA0]  }
0x216: {  	v62 =	vmul.f32 v18, v31;
	v16 =	vadd.f32 $1.000000000e+00, v16;
	v23 =	vmul.f32 v19, v31;
	v21 =	vpop (erf)  }
0x217: {  	s6 =	sadd.s32 $0x8, s6;
	v13 =	vadd.f32 $1.000000000e+00, v13;
	(erf) = vrcp.f32 v12;
	v60 =	vpop (erf);
	v14 =	vsub.f32 v52, v10  }
0x218: {  	p0 =	slt.u32 s6, $0x188;
	v10 =	vsub.f32 v55, v58;
	v12 =	vmul.f32 v21, v29;
	(erf) = vrcp.f32 v8;
	v17 =	vpop (erf)  }
.Ltmp1:
0x219: {  	v3 =	vadd.f32 $1.000000000e+00, v60;
	(erf) = vrcp.f32 v11;
	v8 =	vpop (erf);
	v11 =	vsub.f32 v56, v61;
	(pc) =	sbr.rel @p0 .LBB2_5-.Ltmp1, $4  }
0x21a: {  	(erf) = vrcp.f32 v16;
	v18 =	vpop (erf);
	v7 =	vsub.f32 v15, v7;
	v15 =	vmul.f32 v9, v31  }
0x21b: {  	v8 =	vadd.f32 $1.000000000e+00, v8;
	v9 =	vsub.f32 v2, v20;
	(erf) = vrcp.f32 v13;
	v63 =	vpop (erf)  }
0x21c: {  	v13 =	vsub.f32 v22, v23;
	(erf) = vrcp.f32 v3;
	v16 =	vsub.f32 v54, v15;
	v19 =	vpop (erf)  }
0x21d: {  	s8 =	sadd.s32 $0x80, s8;
	[tilespmem:s2+$0x20] =	vst v7;
	s2 =	smov.u32 s0;
	v20 =	vadd.f32 $1.000000000e+00, v63;
	(erf) = vrcp.f32 v8;
	v15 =	vsub.f32 v57, v62;
	v21 =	vpop (erf)  }
0x21e: {  	v54 =	vld [tilespmem:$0x1FF90]  }
0x21f: {  	v0 =	vadd.f32 $1.000000000e+00, v21  }
0x220: {  	v55 =	vld [tilespmem:$0x1FFA0];
	(erf) = vrcp.f32 v20  }
0x221: {  	v1 =	vpop (erf);
	(erf) = vrcp.f32 v0  }
0x222: {  	v53 =	vpop (erf)  }
0x223: {  	v3 =	vpop (erf);
	v2 =	vmul.f32 v17, v54;
	v5 =	vmul.f32 v18, v54  }
0x224: {  	v7 =	vpop (erf);
	v6 =	vmul.f32 v19, v54;
	v1 =	vmul.f32 v1, v54  }
0x225: {  	v4 =	vsub.f32 v9, v12;
	v7 =	vmul.f32 v7, v55;
	v8 =	vpop (erf);
	v0 =	vmul.f32 v53, v54  }
0x226: {  	v3 =	vmul.f32 v3, v54;
	v8 =	vmul.f32 v8, v55;
	v56 =	vpop (erf);
	v2 =	vsub.f32 v14, v2  }
0x227: {  	v5 =	vsub.f32 v16, v5;
	v9 =	vmul.f32 v56, v55;
	v4 =	vsub.f32 v4, v7;
	v57 =	vpop (erf)  }
0x228: {  	v6 =	vsub.f32 v10, v6;
	v7 =	vmul.f32 v57, v55;
	v58 =	vpop (erf);
	v2 =	vsub.f32 v2, v8  }
0x229: {  	v1 =	vsub.f32 v11, v1;
	v10 =	vmul.f32 v58, v55;
	[tilespmem:s0+$0xFFFFFFC0] =	vst v4;
	v60 =	vsub.f32 v5, v9;
	v59 =	vpop (erf)  }
0x22a: {  	s29 =	sadd.s32 $0x1, s29;
	v0 =	vsub.f32 v15, v0;
	v62 =	vsub.f32 v6, v7;
	v61 =	vpop (erf);
	v8 =	vmul.f32 v59, v55;
	[tilespmem:s0+$0xFFFFFFD0] =	vst v2  }
0x22b: {  	p0 =	sne.s32 s29, $0xC;
	v3 =	vsub.f32 v13, v3;
	[tilespmem:s0+$0xFFFFFFE0] =	vst v60;
	v1 =	vsub.f32 v1, v10;
	v5 =	vmul.f32 v61, v55  }
.Ltmp2:
0x22c: {  	[tilespmem:s0+$0xFFFFFFF0] =	vst v62;
	v0 =	vsub.f32 v0, v8;
	(pc) =	sbr.rel @p0 .LBB2_2-.Ltmp2, $4  }
0x22d: {  	[tilespmem:s2+$0x0] =	vst v1;
	v63 =	vsub.f32 v3, v5  }
0x22e: {  	[tilespmem:s2+$0x10] =	vst v0  }
0x22f: {  	s31 =	sadd.s32 s12, s30;
	[tilespmem:s2+$0x20] =	vst v63  }
0x230: {  	[hbm4b:s31+s13] =	stream.strided.scatter [tilespmem:s24], [sflag:$0x4], $0x1900, s14, s13, $0x38;
	[tilespmem:$0x1CF00] =	vst v63  }
0x231: {  	_ =	swait.ge [sflag:s21], $0x1900  }
0x232: {  	[sflag:s21] =	ssyncset.done $0x0  }
0x233: {  	[sflag:s21] =	ssyncadd.s32 $0xFFFFE700  }
0x234: {  	_ =	swait.ge [sflag:s21], $0x1900  }
0x235: {  	[sflag:s21] =	ssyncset.done $0x0  }
0x236: {  	[sflag:s21] =	ssyncadd.s32 $0xFFFFE700  }
0x237: {  	_ =	swait.ge [sflag:s25], $0x1900  }
0x238: {  	[sflag:s25] =	ssyncset.done $0x0  }
0x239: {  	s0 =	simm.s32 $0x138C0;
	[sflag:s25] =	ssyncadd.s32 $0xFFFFE700  }
0x23a: {  	s1 =	simm.s32 $0x151C0;
	v0 =	vld [tilespmem:s0+$0x30]  }
0x23b: {  	v1 =	vld [tilespmem:s1+$0x30]  }
0x23c: {  	v2 =	vld [tilespmem:s1+$0xFFFFFFC0]  }
0x23d: {  	v3 =	vld [tilespmem:s1+$0xFFFFFFD0]  }
0x23e: {  	v4 =	vld [tilespmem:s1+$0xFFFFFFE0]  }
0x23f: {  	v11 =	vld [tilespmem:s0+$0xFFFFFFD0]  }
0x240: {  	v13 =	vld [tilespmem:s0+$0xFFFFFFE0]  }
0x241: {  	v5 =	vld [tilespmem:s1+$0xFFFFFFF0]  }
0x242: {  	v6 =	vld [tilespmem:s1+$0x0]  }
0x243: {  	v7 =	vld [tilespmem:s1+$0x10];
	v0 =	vshll.u32 v0, $0x3  }
0x244: {  	v9 =	vld [tilespmem:s1+$0x20];
	v27 =	vshll.u32 v11, $0x3  }
0x245: {  	v43 =	vld [tilespmem:s0+$0x0];
	v1 =	vshll.u32 v1, $0x3;
	v33 =	vshll.u32 v13, $0x3  }
0x246: {  	v44 =	vld [tilespmem:s0+$0x10];
	v8 =	vor.u32 $0x4, v1  }
0x247: {  	v45 =	vld [tilespmem:s0+$0x20];
	v10 =	vor.u32 $0x1, v0  }
0x248: {  	v12 =	vor.u32 $0x5, v1;
	v15 =	vld.idx.msk [tilespmem:v0+s3+$0x0], $0xffff  }
0x249: {  	v14 =	vor.u32 $0x2, v0;
	v50 =	vld.idx.msk [tilespmem:v27+s3+$0x0], $0xffff  }
0x24a: {  	v16 =	vor.u32 $0x6, v1;
	v53 =	vld.idx.msk [tilespmem:v33+s3+$0x0], $0xffff  }
0x24b: {  	v2 =	vshll.u32 v2, $0x3;
	v1 =	vor.u32 $0x7, v1;
	v8 =	vld.idx.msk [tilespmem:v8+s3+$0x0], $0xffff  }
0x24c: {  	v35 =	vshll.u32 v9, $0x3;
	v17 =	vor.u32 $0x4, v2;
	v10 =	vld.idx.msk [tilespmem:v10+s3+$0x0], $0xffff  }
0x24d: {  	v3 =	vshll.u32 v3, $0x3;
	v32 =	vor.u32 $0x4, v35;
	v12 =	vld.idx.msk [tilespmem:v12+s3+$0x0], $0xffff  }
0x24e: {  	v37 =	vor.u32 $0x5, v3;
	v14 =	vld.idx.msk [tilespmem:v14+s3+$0x0], $0xffff  }
0x24f: {  	v34 =	vor.u32 $0x5, v35;
	v9 =	vld.idx.msk [tilespmem:v16+s3+$0x0], $0xffff  }
0x250: {  	v0 =	vor.u32 $0x3, v0;
	v1 =	vld.idx.msk [tilespmem:v1+s3+$0x0], $0xffff  }
0x251: {  	v5 =	vshll.u32 v5, $0x3;
	v29 =	vor.u32 $0x2, v33;
	v46 =	vld.idx.msk [tilespmem:v17+s3+$0x0], $0xffff  }
0x252: {  	v7 =	vshll.u32 v7, $0x3;
	v26 =	vor.u32 $0x6, v5;
	v48 =	vld.idx.msk [tilespmem:v32+s3+$0x0], $0xffff  }
0x253: {  	v24 =	vor.u32 $0x6, v7;
	v37 =	vld.idx.msk [tilespmem:v37+s3+$0x0], $0xffff  }
0x254: {  	v34 =	vld.idx.msk [tilespmem:v34+s3+$0x0], $0xffff  }
0x255: {  	v4 =	vshll.u32 v4, $0x3;
	v11 =	vor.u32 $0x3, v27;
	v0 =	vld.idx.msk [tilespmem:v0+s3+$0x0], $0xffff  }
0x256: {  	v6 =	vshll.u32 v6, $0x3;
	v18 =	vor.u32 $0x4, v3;
	v29 =	vld.idx.msk [tilespmem:v29+s3+$0x0], $0xffff;
	v8 =	vadd.f32 v8, v15  }
0x257: {  	v19 =	vor.u32 $0x4, v4;
	v21 =	vor.u32 $0x4, v5;
	v23 =	vor.u32 $0x4, v7;
	v26 =	vld.idx.msk [tilespmem:v26+s3+$0x0], $0xffff  }
0x258: {  	v22 =	vor.u32 $0x4, v6;
	v24 =	vld.idx.msk [tilespmem:v24+s3+$0x0], $0xffff;
	v10 =	vadd.f32 v12, v10;
	v8 =	vmul.f32 $1.442695020e+00, v8  }
0x259: {  	v36 =	vor.u32 $0x1, v27;
	v15 =	vld [tilespmem:s0+$0xFFFFFFF0];
	v9 =	vadd.f32 v9, v14;
	v14 =	vshll.u32 v43, $0x3  }
0x25a: {  	v11 =	vld.idx.msk [tilespmem:v11+s3+$0x0], $0xffff;
	(erf) = vpow2.f32 v8;
	v8 =	vmul.f32 $1.442695020e+00, v10;
	v0 =	vadd.f32 v1, v0  }
0x25b: {  	v38 =	vor.u32 $0x1, v33;
	v39 =	vor.u32 $0x5, v4;
	v60 =	vmul.f32 $1.442695020e+00, v9;
	v10 =	vld [tilespmem:s0+$0xFFFFFFC0]  }
0x25c: {  	v40 =	vor.u32 $0x5, v5;
	v43 =	vld.idx.msk [tilespmem:v23+s3+$0x0], $0xffff;
	(erf) = vpow2.f32 v8;
	v0 =	vmul.f32 $1.442695020e+00, v0  }
0x25d: {  	v12 =	vor.u32 $0x6, v3;
	v9 =	vor.u32 $0x7, v3;
	v3 =	vld.idx.msk [tilespmem:v22+s3+$0x0], $0xffff;
	(erf) = vpow2.f32 v60  }
0x25e: {  	v30 =	vor.u32 $0x6, v2;
	v1 =	vld.idx.msk [tilespmem:v21+s3+$0x0], $0xffff;
	v62 =	vshll.u32 v15, $0x3;
	(erf) = vpow2.f32 v0  }
0x25f: {  	v13 =	vor.u32 $0x7, v2;
	v16 =	vor.u32 $0x5, v2;
	v15 =	vshll.u32 v44, $0x3;
	v2 =	vld.idx.msk [tilespmem:v14+s3+$0x0], $0xffff  }
0x260: {  	v41 =	vor.u32 $0x5, v6;
	v42 =	vor.u32 $0x5, v7;
	v8 =	vld.idx.msk [tilespmem:v18+s3+$0x0], $0xffff;
	v61 =	vshll.u32 v10, $0x3  }
0x261: {  	v31 =	vor.u32 $0x2, v27;
	v28 =	vor.u32 $0x6, v4;
	v18 =	vld.idx.msk [tilespmem:v19+s3+$0x0], $0xffff;
	v19 =	vshll.u32 v45, $0x3  }
0x262: {  	v25 =	vor.u32 $0x6, v6;
	v20 =	vor.u32 $0x6, v35;
	v47 =	vor.u32 $0x1, v14;
	v9 =	vld.idx.msk [tilespmem:v9+s3+$0x0], $0xffff  }
0x263: {  	v55 =	vor.u32 $0x2, v14;
	v22 =	vor.u32 $0x7, v4;
	v49 =	vor.u32 $0x1, v61;
	v4 =	vld.idx.msk [tilespmem:v62+s3+$0x0], $0xffff  }
0x264: {  	v21 =	vor.u32 $0x7, v5;
	v44 =	vor.u32 $0x1, v62;
	v54 =	vor.u32 $0x2, v62;
	v59 =	vld.idx.msk [tilespmem:v15+s3+$0x0], $0xffff;
	v17 =	vpop (erf)  }
0x265: {  	v51 =	vor.u32 $0x2, v61;
	v60 =	vadd.f32 v8, v50;
	v17 =	vadd.f32 $1.000000000e+00, v17;
	v56 =	vld.idx.msk [tilespmem:v61+s3+$0x0], $0xffff;
	v63 =	vpop (erf)  }
0x266: {  	v27 =	vor.u32 $0x3, v61;
	v8 =	vld.idx.msk [tilespmem:v19+s3+$0x0], $0xffff;
	v53 =	vadd.f32 v18, v53;
	v57 =	vadd.f32 $1.000000000e+00, v63;
	v58 =	vpop (erf)  }
0x267: {  	v18 =	vor.u32 $0x7, v7;
	v7 =	vld.idx.msk [tilespmem:v36+s3+$0x0], $0xffff;
	(erf) = vrcp.f32 v17;
	v5 =	vadd.f32 $1.000000000e+00, v58;
	v61 =	vpop (erf)  }
0x268: {  	v23 =	vor.u32 $0x3, v62;
	v49 =	vld.idx.msk [tilespmem:v49+s3+$0x0], $0xffff;
	(erf) = vrcp.f32 v57;
	v50 =	vadd.f32 $1.000000000e+00, v61  }
0x269: {  	v2 =	vadd.f32 v3, v2;
	v0 =	vmul.f32 $1.442695020e+00, v60;
	v63 =	vld.idx.msk [tilespmem:v16+s3+$0x0], $0xffff;
	(erf) = vrcp.f32 v5  }
0x26a: {  	v58 =	vadd.f32 v43, v59;
	v59 =	vld.idx.msk [tilespmem:v39+s3+$0x0], $0xffff;
	v62 =	vadd.f32 v46, v56;
	(erf) = vrcp.f32 v50  }
0x26b: {  	v45 =	vor.u32 $0x1, v15;
	v53 =	vmul.f32 $1.442695020e+00, v53;
	v43 =	vld [tilespmem:$0x1FF70];
	(erf) = vpow2.f32 v0  }
0x26c: {  	v2 =	vmul.f32 $1.442695020e+00, v2;
	v57 =	vld.idx.msk [tilespmem:v38+s3+$0x0], $0xffff;
	v56 =	vadd.f32 v1, v4;
	v5 =	vmul.f32 $1.442695020e+00, v62  }
0x26d: {  	v17 =	vor.u32 $0x3, v14;
	v61 =	vadd.f32 v48, v8;
	v8 =	vld.idx.msk [tilespmem:v44+s3+$0x0], $0xffff;
	(erf) = vpow2.f32 v53  }
0x26e: {  	v14 =	vor.u32 $0x7, v6;
	v48 =	vld.idx.msk [tilespmem:v47+s3+$0x0], $0xffff;
	v0 =	vmul.f32 $1.442695020e+00, v56;
	(erf) = vpow2.f32 v5  }
0x26f: {  	v16 =	vor.u32 $0x7, v35;
	v3 =	vmul.f32 $1.442695020e+00, v58;
	v62 =	vadd.f32 v63, v49;
	v63 =	vld.idx.msk [tilespmem:v40+s3+$0x0], $0xffff  }
0x270: {  	v44 =	vld [tilespmem:$0x1FF80];
	v6 =	vmul.f32 $1.442695020e+00, v61;
	v49 =	vadd.f32 v37, v7;
	(erf) = vpow2.f32 v0;
	v60 =	vpop (erf)  }
0x271: {  	v47 =	vld.idx.msk [tilespmem:v12+s3+$0x0], $0xffff;
	v35 =	vmul.f32 $1.442695020e+00, v62;
	v1 =	vadd.f32 v59, v57;
	(erf) = vpow2.f32 v2;
	v40 =	vpop (erf)  }
0x272: {  	v46 =	vld [tilespmem:$0x1FFB0];
	v2 =	vmul.f32 $1.442695020e+00, v49;
	(erf) = vpow2.f32 v3;
	v53 =	vpop (erf)  }
0x273: {  	v52 =	vor.u32 $0x1, v19;
	v50 =	vld.idx.msk [tilespmem:v41+s3+$0x0], $0xffff;
	v1 =	vmul.f32 $1.442695020e+00, v1;
	(erf) = vpow2.f32 v6;
	v58 =	vpop (erf)  }
0x274: {  	v56 =	vld.idx.msk [tilespmem:v45+s3+$0x0], $0xffff;
	v5 =	vmul.f32 v60, v43;
	v8 =	vadd.f32 v63, v8;
	(erf) = vpow2.f32 v35;
	v60 =	vpop (erf)  }
0x275: {  	v45 =	vld.idx.msk [tilespmem:v31+s3+$0x0], $0xffff;
	(erf) = vpow2.f32 v2;
	v35 =	vadd.f32 $1.000000000e+00, v60  }
0x276: {  	v41 =	vld.idx.msk [tilespmem:v30+s3+$0x0], $0xffff;
	v8 =	vmul.f32 $1.442695020e+00, v8;
	v61 =	vpop (erf);
	(erf) = vpow2.f32 v1  }
0x277: {  	v32 =	vor.u32 $0x2, v19;
	v57 =	vld.idx.msk [tilespmem:v42+s3+$0x0], $0xffff;
	v63 =	vpop (erf);
	(erf) = vrcp.f32 v35  }
0x278: {  	v10 =	vor.u32 $0x3, v33;
	v33 =	vor.u32 $0x2, v15;
	(erf) = vpow2.f32 v8;
	v8 =	vld [tilespmem:$0x1FFA0]  }
0x279: {  	v19 =	vor.u32 $0x3, v19;
	v9 =	vadd.f32 v9, v11;
	v59 =	vld.idx.msk [tilespmem:v52+s3+$0x0], $0xffff;
	v7 =	vadd.f32 v50, v48  }
0x27a: {  	v30 =	vadd.f32 v47, v45;
	v5 =	vsub.f32 v46, v5;
	v0 =	vmul.f32 v40, v44;
	v40 =	vld [tilespmem:$0x1FF90]  }
0x27b: {  	v9 =	vmul.f32 $1.442695020e+00, v9;
	v62 =	vld.idx.msk [tilespmem:v51+s3+$0x0], $0xffff;
	v7 =	vmul.f32 $1.442695020e+00, v7;
	v42 =	vadd.f32 $1.000000000e+00, v63  }
0x27c: {  	v20 =	vld.idx.msk [tilespmem:v20+s3+$0x0], $0xffff;
	v4 =	vadd.f32 v57, v56;
	v30 =	vmul.f32 $1.442695020e+00, v30;
	v0 =	vsub.f32 v5, v0  }
0x27d: {  	v21 =	vld.idx.msk [tilespmem:v21+s3+$0x0], $0xffff;
	v2 =	vadd.f32 $1.000000000e+00, v61;
	(erf) = vrcp.f32 v42;
	v5 =	vmul.f32 v58, v8;
	v8 =	vpop (erf)  }
0x27e: {  	v51 =	vld.idx.msk [tilespmem:v28+s3+$0x0], $0xffff;
	v6 =	vadd.f32 v34, v59;
	v4 =	vmul.f32 $1.442695020e+00, v4;
	(erf) = vpow2.f32 v7;
	v48 =	vpop (erf)  }
0x27f: {  	v23 =	vld.idx.msk [tilespmem:v23+s3+$0x0], $0xffff;
	v3 =	vmul.f32 v53, v40;
	v49 =	vadd.f32 $1.000000000e+00, v8;
	(erf) = vrcp.f32 v2;
	v50 =	vpop (erf)  }
0x280: {  	v6 =	vmul.f32 $1.442695020e+00, v6;
	v1 =	vadd.f32 v41, v62;
	v63 =	vld.idx.msk [tilespmem:v32+s3+$0x0], $0xffff;
	v52 =	vpop (erf);
	(erf) = vpow2.f32 v4  }
0x281: {  	v0 =	vsub.f32 v0, v3;
	v8 =	vld.idx.msk [tilespmem:v54+s3+$0x0], $0xffff;
	v3 =	vadd.f32 $1.000000000e+00, v48;
	v54 =	vpop (erf);
	(erf) = vrcp.f32 v49  }
0x282: {  	v15 =	vor.u32 $0x3, v15;
	v56 =	vld.idx.msk [tilespmem:v55+s3+$0x0], $0xffff;
	v1 =	vmul.f32 $1.442695020e+00, v1;
	v57 =	vpop (erf);
	(erf) = vpow2.f32 v6  }
0x283: {  	v58 =	vld.idx.msk [tilespmem:v25+s3+$0x0], $0xffff;
	v7 =	vadd.f32 v51, v29;
	v53 =	vadd.f32 $1.000000000e+00, v50;
	v59 =	vpop (erf);
	(erf) = vrcp.f32 v3  }
0x284: {  	v51 =	vld.idx.msk [tilespmem:v19+s3+$0x0], $0xffff;
	v19 =	vadd.f32 v21, v23;
	v12 =	vsub.f32 v0, v5;
	(erf) = vpow2.f32 v1;
	v61 =	vpop (erf)  }
0x285: {  	v60 =	vld.idx.msk [tilespmem:v33+s3+$0x0], $0xffff;
	v7 =	vmul.f32 $1.442695020e+00, v7;
	v2 =	vadd.f32 $1.000000000e+00, v52;
	v62 =	vpop (erf);
	(erf) = vrcp.f32 v53  }
0x286: {  	v4 =	vadd.f32 v20, v63;
	v8 =	vadd.f32 v26, v8;
	v32 =	vpop (erf);
	(erf) = vpow2.f32 v30  }
0x287: {  	v13 =	vld.idx.msk [tilespmem:v13+s3+$0x0], $0xffff;
	v52 =	vmul.f32 $1.442695020e+00, v19;
	v5 =	vadd.f32 $1.000000000e+00, v54;
	v33 =	vpop (erf);
	(erf) = vrcp.f32 v2  }
0x288: {  	v34 =	vld.idx.msk [tilespmem:v27+s3+$0x0], $0xffff;
	v0 =	vadd.f32 v58, v56;
	v8 =	vmul.f32 $1.442695020e+00, v8;
	v35 =	vpop (erf);
	(erf) = vpow2.f32 v7  }
0x289: {  	v4 =	vmul.f32 $1.442695020e+00, v4;
	v28 =	vadd.f32 $1.000000000e+00, v57;
	(erf) = vrcp.f32 v5;
	v37 =	vpop (erf)  }
0x28a: {  	v10 =	vld.idx.msk [tilespmem:v10+s3+$0x0], $0xffff;
	v3 =	vadd.f32 v24, v60;
	v0 =	vmul.f32 $1.442695020e+00, v0;
	v38 =	vpop (erf);
	(erf) = vpow2.f32 v8  }
0x28b: {  	v42 =	vld.idx.msk [tilespmem:v22+s3+$0x0], $0xffff;
	v25 =	vadd.f32 $1.000000000e+00, v59;
	v1 =	vmul.f32 v61, v43;
	(erf) = vrcp.f32 v28;
	v39 =	vpop (erf)  }
0x28c: {  	v3 =	vmul.f32 $1.442695020e+00, v3;
	v36 =	vadd.f32 $1.000000000e+00, v62;
	v20 =	vpop (erf);
	(erf) = vpow2.f32 v0  }
0x28d: {  	v26 =	vmul.f32 v32, v43;
	v2 =	vadd.f32 v13, v34;
	v22 =	vpop (erf);
	(erf) = vrcp.f32 v25  }
0x28e: {  	v6 =	vmul.f32 v35, v43;
	v13 =	vpop (erf);
	(erf) = vpow2.f32 v3  }
0x28f: {  	v16 =	vld.idx.msk [tilespmem:v16+s3+$0x0], $0xffff;
	v2 =	vmul.f32 $1.442695020e+00, v2;
	v8 =	vadd.f32 $1.000000000e+00, v33;
	v47 =	vpop (erf);
	(erf) = vrcp.f32 v36  }
0x290: {  	v48 =	vld.idx.msk [tilespmem:v17+s3+$0x0], $0xffff;
	v5 =	vadd.f32 v42, v10;
	v24 =	vmul.f32 v38, v43;
	v11 =	vpop (erf);
	(erf) = vpow2.f32 v4  }
0x291: {  	v41 =	vadd.f32 $1.000000000e+00, v37;
	v49 =	vmul.f32 v13, v43;
	v13 =	vld.idx.msk [tilespmem:v14+s3+$0x0], $0xffff;
	v17 =	vpop (erf);
	(erf) = vrcp.f32 v8  }
0x292: {  	v1 =	vsub.f32 v46, v1;
	v5 =	vmul.f32 $1.442695020e+00, v5;
	v8 =	vld.idx.msk [tilespmem:v15+s3+$0x0], $0xffff;
	v10 =	vpop (erf);
	(erf) = vpow2.f32 v2  }
0x293: {  	v45 =	vadd.f32 $1.000000000e+00, v39;
	v50 =	vmul.f32 v11, v43;
	v11 =	vld.idx.msk [tilespmem:v18+s3+$0x0], $0xffff;
	v18 =	vpop (erf);
	(erf) = vrcp.f32 v41  }
0x294: {  	v6 =	vsub.f32 v46, v6;
	v22 =	vadd.f32 $1.000000000e+00, v22;
	v21 =	vpop (erf);
	(erf) = vpow2.f32 v9  }
0x295: {  	v14 =	vadd.f32 $1.000000000e+00, v47;
	v9 =	vadd.f32 $1.000000000e+00, v17;
	v17 =	vpop (erf);
	(erf) = vrcp.f32 v45  }
0x296: {  	v0 =	vadd.f32 v16, v51;
	v7 =	vadd.f32 v13, v48;
	v13 =	vpop (erf);
	(erf) = vpow2.f32 v5  }
0x297: {  	v20 =	vmul.f32 v20, v43;
	v53 =	vadd.f32 $1.000000000e+00, v18;
	(erf) = vrcp.f32 v22;
	v18 =	vpop (erf)  }
0x298: {  	v7 =	vmul.f32 $1.442695020e+00, v7;
	v8 =	vadd.f32 v11, v8;
	v11 =	vpop (erf);
	(erf) = vpow2.f32 v52  }
0x299: {  	v19 =	vsub.f32 v46, v24;
	v0 =	vmul.f32 $1.442695020e+00, v0;
	(erf) = vrcp.f32 v14;
	v14 =	vpop (erf)  }
0x29a: {  	v20 =	vsub.f32 v46, v20;
	v8 =	vmul.f32 $1.442695020e+00, v8;
	v16 =	vpop (erf);
	(erf) = vpow2.f32 v7  }
0x29b: {  	v15 =	vsub.f32 v46, v26;
	v54 =	vadd.f32 $1.000000000e+00, v17;
	v17 =	vpop (erf);
	(erf) = vrcp.f32 v9  }
0x29c: {  	v56 =	vmul.f32 v10, v44;
	v55 =	vadd.f32 $1.000000000e+00, v18;
	v18 =	vpop (erf);
	(erf) = vpow2.f32 v8  }
0x29d: {  	v4 =	vsub.f32 v46, v49;
	v21 =	vmul.f32 v21, v44;
	v9 =	vpop (erf);
	(erf) = vrcp.f32 v53  }
0x29e: {  	v2 =	vsub.f32 v46, v50;
	v58 =	vmul.f32 v13, v44;
	v10 =	vpop (erf);
	(erf) = vpow2.f32 v0  }
0x29f: {  	v59 =	vmul.f32 v11, v44;
	v14 =	vadd.f32 $1.000000000e+00, v14;
	v57 =	vadd.f32 $1.000000000e+00, v9;
	v9 =	vpop (erf)  }
0x2a0: {  	v11 =	vmul.f32 v16, v44;
	v16 =	vsub.f32 v6, v58;
	(erf) = vrcp.f32 v54;
	v22 =	vpop (erf)  }
0x2a1: {  	v8 =	vadd.f32 $1.000000000e+00, v17;
	v61 =	vmul.f32 v18, v44;
	(erf) = vrcp.f32 v55;
	v60 =	vpop (erf)  }
0x2a2: {  	v11 =	vsub.f32 v20, v11;
	v13 =	vadd.f32 $1.000000000e+00, v9;
	(erf) = vrcp.f32 v14;
	v17 =	vpop (erf)  }
0x2a3: {  	v9 =	vsub.f32 v15, v56;
	v15 =	vsub.f32 v4, v61;
	(erf) = vrcp.f32 v8;
	v62 =	vpop (erf)  }
0x2a4: {  	v14 =	vsub.f32 v1, v21;
	v7 =	vadd.f32 $1.000000000e+00, v60;
	(erf) = vrcp.f32 v57;
	v18 =	vpop (erf)  }
0x2a5: {  	s0 =	simm.s32 $0x19CC0;
	v8 =	vmul.f32 v10, v44;
	v0 =	vadd.f32 $1.000000000e+00, v62;
	(erf) = vrcp.f32 v13;
	v63 =	vpop (erf)  }
0x2a6: {  	[tilespmem:s0+$0x30] =	vst v12;
	v12 =	vmul.f32 v22, v40;
	v10 =	vsub.f32 v19, v59;
	(erf) = vrcp.f32 v7;
	v19 =	vpop (erf)  }
0x2a7: {  	s6 =	simm.s32 $0x0;
	s8 =	simm.s32 $0x13940;
	s2 =	simm.s32 $0x19CC0;
	v13 =	vsub.f32 v2, v8;
	v20 =	vadd.f32 $1.000000000e+00, v63;
	(erf) = vrcp.f32 v0;
	v21 =	vpop (erf)  }
.LBB2_8:
0x2a8: {  	v0 =	vld [tilespmem:s8+$0x30]  }
0x2a9: {  	v29 =	vld [tilespmem:$0x1FF90]  }
0x2aa: {  	s1 =	sadd.s32 $0x80, s1;
	v41 =	vld [tilespmem:s8+$0x0]  }
0x2ab: {  	v4 =	vld [tilespmem:s1+$0x30]  }
0x2ac: {  	v2 =	vadd.f32 $1.000000000e+00, v21;
	v3 =	vpop (erf);
	v8 =	vld [tilespmem:s1+$0xFFFFFFC0]  }
0x2ad: {  	(erf) = vrcp.f32 v20;
	v20 =	vld [tilespmem:$0x1FFA0];
	v7 =	vpop (erf)  }
0x2ae: {  	v35 =	vld [tilespmem:s1+$0xFFFFFFD0];
	v34 =	vpop (erf);
	(erf) = vrcp.f32 v2  }
0x2af: {  	v44 =	vld [tilespmem:s8+$0x10];
	v1 =	vmul.f32 v17, v29;
	v5 =	vmul.f32 v18, v29  }
0x2b0: {  	v26 =	vsub.f32 v9, v12;
	v60 =	vld [tilespmem:s1+$0x10];
	v54 =	vpop (erf);
	v6 =	vmul.f32 v19, v29;
	v9 =	vmul.f32 v3, v29  }
0x2b1: {  	v46 =	vld [tilespmem:s8+$0x20];
	v53 =	vmul.f32 v7, v29;
	v3 =	vmul.f32 v34, v29;
	v56 =	vpop (erf)  }
0x2b2: {  	v57 =	vld [tilespmem:s1+$0xFFFFFFF0];
	v0 =	vshll.u32 v0, $0x3;
	v45 =	vmul.f32 v54, v20;
	v42 =	vmul.f32 v56, v20  }
0x2b3: {  	v59 =	vld [tilespmem:s1+$0x0];
	v4 =	vshll.u32 v4, $0x3;
	v63 =	vshll.u32 v8, $0x3;
	v2 =	vshll.u32 v35, $0x3  }
0x2b4: {  	v21 =	vor.u32 $0x2, v0;
	v37 =	vsub.f32 v14, v1;
	v31 =	vsub.f32 v16, v5;
	v14 =	vld [tilespmem:s1+$0xFFFFFFE0]  }
0x2b5: {  	v17 =	vld [tilespmem:s8+$0xFFFFFFE0];
	v7 =	vshll.u32 v60, $0x3;
	v6 =	vsub.f32 v10, v6;
	v55 =	vsub.f32 v11, v9  }
0x2b6: {  	v58 =	vpop (erf);
	v60 =	vshll.u32 v41, $0x3;
	v5 =	vsub.f32 v15, v53;
	v3 =	vsub.f32 v13, v3;
	v13 =	vld [tilespmem:s1+$0x20]  }
0x2b7: {  	v36 =	vmul.f32 v58, v20;
	v62 =	vpop (erf);
	v8 =	vor.u32 $0x4, v4;
	v61 =	vor.u32 $0x4, v63;
	v16 =	vld [tilespmem:s8+$0xFFFFFFD0]  }
0x2b8: {  	v15 =	vor.u32 $0x1, v0;
	v18 =	vor.u32 $0x4, v2;
	v1 =	vmul.f32 v62, v20;
	v62 =	vld [tilespmem:s8+$0xFFFFFFF0]  }
0x2b9: {  	v26 =	vsub.f32 v26, v45;
	v45 =	vld [tilespmem:$0x1FF80];
	v19 =	vshll.u32 v14, $0x3;
	v14 =	vor.u32 $0x5, v4  }
0x2ba: {  	v25 =	vor.u32 $0x6, v4;
	v28 =	vor.u32 $0x4, v7;
	v58 =	vor.u32 $0x5, v63;
	v23 =	vld.idx.msk [tilespmem:v0+s3+$0x0], $0xffff  }
0x2bb: {  	v56 =	vor.u32 $0x5, v2;
	v47 =	vor.u32 $0x5, v7;
	v52 =	vshll.u32 v17, $0x3;
	v17 =	vld.idx.msk [tilespmem:v21+s3+$0x0], $0xffff  }
0x2bc: {  	v40 =	vor.u32 $0x6, v63;
	v38 =	vor.u32 $0x6, v2;
	[tilespmem:$0x1FD20] =	vst v6;
	v0 =	vor.u32 $0x3, v0;
	v8 =	vld.idx.msk [tilespmem:v8+s3+$0x0], $0xffff  }
0x2bd: {  	v2 =	vor.u32 $0x7, v2;
	[tilespmem:$0x1FD50] =	vst v5;
	v6 =	vshll.u32 v57, $0x3;
	v15 =	vld.idx.msk [tilespmem:v15+s3+$0x0], $0xffff;
	v4 =	vor.u32 $0x7, v4  }
0x2be: {  	[tilespmem:$0x1FDC0] =	vst v3;
	v3 =	vshll.u32 v59, $0x3;
	v5 =	vor.u32 $0x7, v63;
	v24 =	vor.u32 $0x4, v6;
	v14 =	vld.idx.msk [tilespmem:v14+s3+$0x0], $0xffff  }
0x2bf: {  	v27 =	vor.u32 $0x4, v3;
	v50 =	vor.u32 $0x5, v6;
	v48 =	vor.u32 $0x5, v3;
	v21 =	vld.idx.msk [tilespmem:v25+s3+$0x0], $0xffff  }
0x2c0: {  	[tilespmem:$0x1FD40] =	vst v55;
	v32 =	vor.u32 $0x6, v6;
	v30 =	vor.u32 $0x6, v3;
	v55 =	vor.u32 $0x1, v52;
	v12 =	vld.idx.msk [tilespmem:v61+s3+$0x0], $0xffff  }
0x2c1: {  	v13 =	vshll.u32 v13, $0x3;
	v16 =	vshll.u32 v16, $0x3;
	v0 =	vld.idx.msk [tilespmem:v0+s3+$0x0], $0xffff;
	v8 =	vadd.f32 v8, v23  }
0x2c2: {  	v35 =	vor.u32 $0x2, v52;
	v25 =	vor.u32 $0x7, v6;
	v9 =	vor.u32 $0x6, v13;
	v4 =	vld.idx.msk [tilespmem:v4+s3+$0x0], $0xffff  }
0x2c3: {  	v51 =	vpop (erf);
	v22 =	vor.u32 $0x4, v19;
	[tilespmem:$0x1FD60] =	vst v9;
	v9 =	vld.idx.msk [tilespmem:v18+s3+$0x0], $0xffff;
	v8 =	vmul.f32 $1.442695020e+00, v8;
	v14 =	vadd.f32 v14, v15  }
0x2c4: {  	v54 =	vpop (erf);
	v34 =	vor.u32 $0x4, v13;
	v59 =	vor.u32 $0x1, v16;
	v11 =	vld.idx.msk [tilespmem:v24+s3+$0x0], $0xffff;
	v49 =	vadd.f32 v21, v17  }
0x2c5: {  	v57 =	vpop (erf);
	v39 =	vor.u32 $0x2, v16;
	(erf) = vpow2.f32 v8;
	v8 =	vld [tilespmem:s8+$0xFFFFFFC0];
	v15 =	vmul.f32 $1.442695020e+00, v14  }
0x2c6: {  	[tilespmem:$0x1FD90] =	vst v2;
	v63 =	vor.u32 $0x3, v16;
	v18 =	vshll.u32 v46, $0x3;
	v16 =	vld.idx.msk [tilespmem:v16+s3+$0x0], $0xffff;
	v2 =	vmul.f32 $1.442695020e+00, v49  }
0x2c7: {  	v6 =	vor.u32 $0x3, v60;
	v24 =	vld.idx.msk [tilespmem:v28+s3+$0x0], $0xffff;
	v0 =	vadd.f32 v4, v0;
	(erf) = vpow2.f32 v15  }
0x2c8: {  	[tilespmem:$0x1FD70] =	vst v5;
	v53 =	vor.u32 $0x5, v19;
	v5 =	vshll.u32 v62, $0x3;
	v61 =	vld.idx.msk [tilespmem:v22+s3+$0x0], $0xffff;
	(erf) = vpow2.f32 v2  }
0x2c9: {  	v33 =	vor.u32 $0x6, v19;
	v62 =	vshll.u32 v44, $0x3;
	v22 =	vld.idx.msk [tilespmem:v27+s3+$0x0], $0xffff;
	v0 =	vmul.f32 $1.442695020e+00, v0  }
0x2ca: {  	[tilespmem:$0x1FD80] =	vst v63;
	v63 =	vor.u32 $0x1, v5;
	v46 =	vor.u32 $0x2, v60;
	v10 =	vld.idx.msk [tilespmem:v34+s3+$0x0], $0xffff;
	v8 =	vshll.u32 v8, $0x3  }
0x2cb: {  	v44 =	vor.u32 $0x2, v62;
	v9 =	vadd.f32 v9, v16;
	v16 =	vld.idx.msk [tilespmem:v18+s3+$0x0], $0xffff;
	(erf) = vpow2.f32 v0  }
0x2cc: {  	v49 =	vor.u32 $0x3, v52;
	v52 =	vld.idx.msk [tilespmem:v52+s3+$0x0], $0xffff;
	v4 =	vor.u32 $0x1, v8;
	v2 =	vor.u32 $0x3, v62  }
0x2cd: {  	v28 =	vor.u32 $0x7, v19;
	v41 =	vor.u32 $0x2, v18;
	v23 =	vor.u32 $0x6, v7;
	[tilespmem:$0x1FDB0] =	vst v2;
	v2 =	vld.idx.msk [tilespmem:v5+s3+$0x0], $0xffff  }
0x2ce: {  	v17 =	vor.u32 $0x1, v18;
	v27 =	vor.u32 $0x3, v5;
	v15 =	vor.u32 $0x1, v62;
	v62 =	vld.idx.msk [tilespmem:v62+s3+$0x0], $0xffff  }
0x2cf: {  	[tilespmem:$0x1FDA0] =	vst v49;
	v49 =	vor.u32 $0x2, v5;
	v21 =	vor.u32 $0x2, v8;
	v34 =	vor.u32 $0x3, v8;
	v19 =	vpop (erf);
	v8 =	vld.idx.msk [tilespmem:v8+s3+$0x0], $0xffff  }
0x2d0: {  	[tilespmem:$0x1FD30] =	vst v1;
	v10 =	vadd.f32 v10, v16;
	v16 =	vld.idx.msk [tilespmem:v63+s3+$0x0], $0xffff;
	v5 =	vor.u32 $0x7, v7;
	v1 =	vadd.f32 $1.000000000e+00, v19;
	v0 =	vpop (erf)  }
0x2d1: {  	v19 =	vor.u32 $0x7, v3;
	v3 =	vmul.f32 v51, v20;
	v4 =	vld.idx.msk [tilespmem:v4+s3+$0x0], $0xffff;
	v7 =	vadd.f32 $1.000000000e+00, v0;
	v0 =	vpop (erf)  }
0x2d2: {  	v2 =	vadd.f32 v11, v2;
	v11 =	vld.idx.msk [tilespmem:v56+s3+$0x0], $0xffff;
	(erf) = vrcp.f32 v1;
	v0 =	vadd.f32 $1.000000000e+00, v0  }
0x2d3: {  	v14 =	vor.u32 $0x1, v60;
	v51 =	vmul.f32 v54, v20;
	v1 =	vld.idx.msk [tilespmem:v60+s3+$0x0], $0xffff;
	(erf) = vrcp.f32 v7  }
0x2d4: {  	v60 =	vor.u32 $0x3, v18;
	v54 =	vadd.f32 v12, v8;
	v8 =	vld.idx.msk [tilespmem:v58+s3+$0x0], $0xffff;
	v18 =	vpop (erf);
	(erf) = vrcp.f32 v0  }
0x2d5: {  	v12 =	vsub.f32 v37, v42;
	v42 =	vld [tilespmem:$0x1FF70];
	v18 =	vadd.f32 $1.000000000e+00, v18  }
0x2d6: {  	v52 =	vadd.f32 v61, v52;
	v9 =	vmul.f32 $1.442695020e+00, v9;
	v7 =	vmul.f32 v57, v20;
	v57 =	vld.idx.msk [tilespmem:v59+s3+$0x0], $0xffff  }
0x2d7: {  	(erf) = vrcp.f32 v18;
	v18 =	vld.idx.msk [tilespmem:v53+s3+$0x0], $0xffff  }
0x2d8: {  	v58 =	vmul.f32 $1.442695020e+00, v52;
	(erf) = vpow2.f32 v9;
	v9 =	vld.idx.msk [tilespmem:v55+s3+$0x0], $0xffff  }
0x2d9: {  	v10 =	vmul.f32 $1.442695020e+00, v10;
	v14 =	vld.idx.msk [tilespmem:v14+s3+$0x0], $0xffff;
	v59 =	vmul.f32 $1.442695020e+00, v54;
	[tilespmem:s0+$0xFFFFFFD0] =	vst v12;
	v12 =	vadd.f32 v24, v62  }
0x2da: {  	v1 =	vadd.f32 v22, v1;
	v22 =	vsub.f32 v31, v36;
	v31 =	vld [tilespmem:$0x1FFB0];
	(erf) = vpow2.f32 v58  }
0x2db: {  	v61 =	vmul.f32 $1.442695020e+00, v2;
	v4 =	vadd.f32 v8, v4;
	v8 =	vld.idx.msk [tilespmem:v50+s3+$0x0], $0xffff;
	(erf) = vpow2.f32 v59;
	v52 =	vpop (erf)  }
0x2dc: {  	v24 =	vmul.f32 $1.442695020e+00, v12;
	v1 =	vmul.f32 $1.442695020e+00, v1;
	v54 =	vadd.f32 v11, v57;
	v11 =	vld.idx.msk [tilespmem:v48+s3+$0x0], $0xffff;
	v53 =	vpop (erf)  }
0x2dd: {  	(erf) = vpow2.f32 v61;
	v0 =	vmul.f32 v52, v42;
	v9 =	vadd.f32 v18, v9;
	v18 =	vld [tilespmem:$0x1FD30];
	v12 =	vpop (erf)  }
0x2de: {  	(erf) = vpow2.f32 v1;
	v55 =	vmul.f32 v12, v29;
	v12 =	vld.idx.msk [tilespmem:v17+s3+$0x0], $0xffff  }
0x2df: {  	v43 =	vor.u32 $0x5, v13;
	[tilespmem:s0+$0xFFFFFFE0] =	vst v22;
	v22 =	vmul.f32 $1.442695020e+00, v4;
	(erf) = vpow2.f32 v24;
	v17 =	vld [tilespmem:$0x1FD20]  }
0x2e0: {  	[tilespmem:s0+$0xFFFFFFC0] =	vst v26;
	v26 =	vmul.f32 $1.442695020e+00, v54;
	v0 =	vsub.f32 v31, v0;
	v2 =	vmul.f32 v53, v45  }
0x2e1: {  	v15 =	vld.idx.msk [tilespmem:v15+s3+$0x0], $0xffff;
	v8 =	vadd.f32 v8, v16;
	v9 =	vmul.f32 $1.442695020e+00, v9;
	(erf) = vpow2.f32 v10;
	v56 =	vpop (erf)  }
0x2e2: {  	v62 =	vld.idx.msk [tilespmem:v38+s3+$0x0], $0xffff;
	v11 =	vadd.f32 v11, v14;
	v0 =	vsub.f32 v0, v2;
	(erf) = vpow2.f32 v22;
	v57 =	vpop (erf)  }
0x2e3: {  	v10 =	vld.idx.msk [tilespmem:v47+s3+$0x0], $0xffff;
	v20 =	vmul.f32 v56, v20;
	(erf) = vpow2.f32 v26;
	v58 =	vpop (erf);
	v2 =	vadd.f32 $1.000000000e+00, v57  }
0x2e4: {  	v59 =	vpop (erf);
	(erf) = vpow2.f32 v9;
	v17 =	vsub.f32 v17, v18;
	v18 =	vld.idx.msk [tilespmem:v21+s3+$0x0], $0xffff;
	v21 =	vmul.f32 $1.442695020e+00, v8  }
0x2e5: {  	v16 =	vld.idx.msk [tilespmem:v43+s3+$0x0], $0xffff;
	v0 =	vsub.f32 v0, v55;
	v22 =	vadd.f32 $1.000000000e+00, v59;
	(erf) = vrcp.f32 v2  }
0x2e6: {  	v63 =	vmul.f32 $1.442695020e+00, v11;
	v61 =	vpop (erf);
	[tilespmem:s0+$0xFFFFFFF0] =	vst v17;
	v17 =	vld.idx.msk [tilespmem:v40+s3+$0x0], $0xffff;
	(erf) = vpow2.f32 v21  }
0x2e7: {  	v14 =	vld.idx.msk [tilespmem:v35+s3+$0x0], $0xffff;
	v20 =	vsub.f32 v0, v20;
	v8 =	vpop (erf);
	(erf) = vrcp.f32 v22  }
0x2e8: {  	v9 =	vld.idx.msk [tilespmem:v39+s3+$0x0], $0xffff;
	v10 =	vadd.f32 v10, v15;
	v35 =	vpop (erf);
	(erf) = vpow2.f32 v63  }
0x2e9: {  	v4 =	vadd.f32 $1.000000000e+00, v58;
	v15 =	vld.idx.msk [tilespmem:v33+s3+$0x0], $0xffff  }
0x2ea: {  	v12 =	vadd.f32 v16, v12;
	s0 =	sadd.s32 $0x80, s0;
	v10 =	vmul.f32 $1.442695020e+00, v10;
	v16 =	vld.idx.msk [tilespmem:v49+s3+$0x0], $0xffff;
	v11 =	vpop (erf)  }
0x2eb: {  	[tilespmem:s0+$0x30] =	vst v20;
	v20 =	vpop (erf);
	(erf) = vrcp.f32 v4;
	v36 =	vadd.f32 v17, v18;
	v17 =	vld.idx.msk [tilespmem:v32+s3+$0x0], $0xffff  }
0x2ec: {  	v0 =	vadd.f32 $1.000000000e+00, v61;
	(erf) = vpow2.f32 v10;
	v10 =	vadd.f32 $1.000000000e+00, v20;
	v20 =	vpop (erf)  }
0x2ed: {  	v37 =	vld [tilespmem:$0x1FD40];
	v12 =	vmul.f32 $1.442695020e+00, v12;
	v2 =	vadd.f32 v62, v9;
	v9 =	vadd.f32 $1.000000000e+00, v20;
	v20 =	vpop (erf)  }
0x2ee: {  	v39 =	vld [tilespmem:$0x1FD50];
	v8 =	vadd.f32 $1.000000000e+00, v8;
	(erf) = vrcp.f32 v0;
	v40 =	vpop (erf)  }
0x2ef: {  	v1 =	vadd.f32 $1.000000000e+00, v35;
	v18 =	vld.idx.msk [tilespmem:v46+s3+$0x0], $0xffff;
	(erf) = vpow2.f32 v12;
	v21 =	vmul.f32 $1.442695020e+00, v36;
	v22 =	vpop (erf)  }
0x2f0: {  	v46 =	vld [tilespmem:$0x1FD80];
	(erf) = vrcp.f32 v8;
	v8 =	vadd.f32 v15, v14;
	v43 =	vadd.f32 v17, v16;
	v16 =	vpop (erf)  }
0x2f1: {  	v15 =	vadd.f32 $1.000000000e+00, v20;
	v20 =	vld.idx.msk [tilespmem:v41+s3+$0x0], $0xffff;
	v17 =	vadd.f32 $1.000000000e+00, v22;
	v22 =	vpop (erf)  }
0x2f2: {  	v2 =	vmul.f32 $1.442695020e+00, v2;
	(erf) = vpow2.f32 v21;
	v21 =	vadd.f32 $1.000000000e+00, v22;
	v22 =	vld [tilespmem:$0x1FD90]  }
0x2f3: {  	v11 =	vadd.f32 $1.000000000e+00, v11;
	v41 =	vmul.f32 $1.442695020e+00, v8;
	v8 =	vld [tilespmem:$0x1FD60];
	(erf) = vrcp.f32 v1  }
0x2f4: {  	v38 =	vld.idx.msk [tilespmem:v30+s3+$0x0], $0xffff;
	(erf) = vpow2.f32 v2  }
0x2f5: {  	v0 =	vsub.f32 v37, v3;
	(erf) = vrcp.f32 v11;
	v11 =	vld [tilespmem:$0x1FD70]  }
0x2f6: {  	v47 =	vld [tilespmem:$0x1FDA0]  }
0x2f7: {  	v12 =	vld.idx.msk [tilespmem:v44+s3+$0x0], $0xffff;
	[tilespmem:s2+$0x0] =	vst v0;
	v0 =	vsub.f32 v39, v51  }
0x2f8: {  	v14 =	vld.idx.msk [tilespmem:v23+s3+$0x0], $0xffff  }
0x2f9: {  	[tilespmem:s2+$0x10] =	vst v0;
	v0 =	vld.idx.msk [tilespmem:v46+s3+$0x0], $0xffff  }
0x2fa: {  	v22 =	vld.idx.msk [tilespmem:v22+s3+$0x0], $0xffff  }
0x2fb: {  	v3 =	vmul.f32 v40, v42;
	v44 =	vmul.f32 v16, v42;
	v8 =	vld.idx.msk [tilespmem:v8+s3+$0x0], $0xffff  }
0x2fc: {  	v4 =	vadd.f32 v38, v18;
	v16 =	vld.idx.msk [tilespmem:v34+s3+$0x0], $0xffff;
	v1 =	vmul.f32 $1.442695020e+00, v43;
	v18 =	vpop (erf);
	(erf) = vpow2.f32 v41  }
0x2fd: {  	v13 =	vor.u32 $0x7, v13;
	v53 =	vsub.f32 v31, v3;
	(erf) = vrcp.f32 v10;
	v10 =	vpop (erf);
	v11 =	vld.idx.msk [tilespmem:v11+s3+$0x0], $0xffff  }
0x2fe: {  	v23 =	vld.idx.msk [tilespmem:v28+s3+$0x0], $0xffff;
	v4 =	vmul.f32 $1.442695020e+00, v4;
	v12 =	vadd.f32 v14, v12;
	v14 =	vpop (erf);
	(erf) = vpow2.f32 v1  }
0x2ff: {  	v18 =	vmul.f32 v18, v42;
	(erf) = vrcp.f32 v9;
	v9 =	vpop (erf);
	v0 =	vadd.f32 v22, v0;
	v22 =	vld [tilespmem:$0x1FDB0]  }
0x300: {  	v12 =	vmul.f32 $1.442695020e+00, v12;
	v1 =	vld.idx.msk [tilespmem:v47+s3+$0x0], $0xffff;
	v8 =	vadd.f32 v8, v20;
	v20 =	vpop (erf);
	(erf) = vpow2.f32 v4  }
0x301: {  	v2 =	vsub.f32 v31, v44;
	v10 =	vadd.f32 $1.000000000e+00, v10;
	v49 =	vpop (erf);
	(erf) = vrcp.f32 v15  }
0x302: {  	v48 =	vld.idx.msk [tilespmem:v27+s3+$0x0], $0xffff;
	v8 =	vmul.f32 $1.442695020e+00, v8;
	v11 =	vadd.f32 v11, v16;
	v16 =	vpop (erf);
	(erf) = vpow2.f32 v12  }
0x303: {  	v55 =	vsub.f32 v31, v18;
	v14 =	vmul.f32 v14, v42;
	v15 =	vld.idx.msk [tilespmem:v25+s3+$0x0], $0xffff;
	v50 =	vpop (erf);
	(erf) = vrcp.f32 v17  }
0x304: {  	v9 =	vadd.f32 $1.000000000e+00, v9;
	v17 =	vld.idx.msk [tilespmem:v19+s3+$0x0], $0xffff;
	v11 =	vmul.f32 $1.442695020e+00, v11;
	v19 =	vpop (erf);
	(erf) = vpow2.f32 v8  }
0x305: {  	v6 =	vld.idx.msk [tilespmem:v6+s3+$0x0], $0xffff;
	v1 =	vadd.f32 v23, v1;
	v20 =	vmul.f32 v20, v42;
	v51 =	vpop (erf);
	(erf) = vrcp.f32 v21  }
0x306: {  	v5 =	vld.idx.msk [tilespmem:v5+s3+$0x0], $0xffff;
	v56 =	vsub.f32 v31, v14;
	v0 =	vmul.f32 $1.442695020e+00, v0;
	v21 =	vpop (erf);
	(erf) = vpow2.f32 v11  }
0x307: {  	v1 =	vmul.f32 $1.442695020e+00, v1;
	v12 =	vadd.f32 $1.000000000e+00, v49;
	v52 =	vpop (erf);
	(erf) = vrcp.f32 v10;
	v22 =	vld.idx.msk [tilespmem:v22+s3+$0x0], $0xffff  }
0x308: {  	v57 =	vsub.f32 v31, v20;
	v4 =	vadd.f32 v15, v48;
	v10 =	vld.idx.msk [tilespmem:v13+s3+$0x0], $0xffff;
	v13 =	vpop (erf);
	(erf) = vpow2.f32 v0  }
0x309: {  	v23 =	vld.idx.msk [tilespmem:v60+s3+$0x0], $0xffff;
	v16 =	vmul.f32 v16, v42;
	v8 =	vadd.f32 $1.000000000e+00, v50;
	v15 =	vpop (erf);
	(erf) = vrcp.f32 v9  }
0x30a: {  	v4 =	vmul.f32 $1.442695020e+00, v4;
	v6 =	vadd.f32 v17, v6;
	v9 =	vpop (erf);
	(erf) = vpow2.f32 v1  }
0x30b: {  	v19 =	vmul.f32 v19, v42;
	v58 =	vsub.f32 v31, v16;
	(erf) = vrcp.f32 v12;
	v12 =	vpop (erf)  }
0x30c: {  	v6 =	vmul.f32 $1.442695020e+00, v6;
	v17 =	vpop (erf);
	(erf) = vpow2.f32 v4;
	v5 =	vadd.f32 v5, v22  }
0x30d: {  	v11 =	vadd.f32 $1.000000000e+00, v51;
	v20 =	vmul.f32 v21, v45;
	(erf) = vrcp.f32 v8;
	v8 =	vpop (erf)  }
0x30e: {  	v10 =	vadd.f32 v10, v23;
	v14 =	vpop (erf);
	(erf) = vpow2.f32 v6;
	v5 =	vmul.f32 $1.442695020e+00, v5  }
0x30f: {  	v54 =	vadd.f32 $1.000000000e+00, v52;
	v15 =	vadd.f32 $1.000000000e+00, v15;
	v18 =	vpop (erf);
	(erf) = vrcp.f32 v11  }
0x310: {  	v10 =	vmul.f32 $1.442695020e+00, v10;
	v11 =	vadd.f32 $1.000000000e+00, v18;
	v18 =	vpop (erf);
	(erf) = vpow2.f32 v5  }
0x311: {  	v12 =	vadd.f32 $1.000000000e+00, v12;
	v59 =	vmul.f32 v17, v45;
	v16 =	vpop (erf);
	(erf) = vrcp.f32 v54  }
0x312: {  	v22 =	vsub.f32 v31, v19;
	v61 =	vmul.f32 v14, v45;
	v19 =	vpop (erf);
	(erf) = vpow2.f32 v10  }
0x313: {  	v8 =	vadd.f32 $1.000000000e+00, v8;
	v10 =	vmul.f32 v13, v45;
	v13 =	vpop (erf);
	(erf) = vrcp.f32 v15;
	v15 =	vld [tilespmem:$0x1FDC0]  }
0x314: {  	v62 =	vmul.f32 v18, v45;
	v16 =	vadd.f32 $1.000000000e+00, v16;
	v23 =	vmul.f32 v19, v45;
	v21 =	vpop (erf)  }
0x315: {  	s6 =	sadd.s32 $0x8, s6;
	v13 =	vadd.f32 $1.000000000e+00, v13;
	(erf) = vrcp.f32 v12;
	v60 =	vpop (erf);
	v14 =	vsub.f32 v53, v10  }
0x316: {  	p0 =	slt.u32 s6, $0x188;
	v10 =	vsub.f32 v56, v59;
	v12 =	vmul.f32 v21, v29;
	(erf) = vrcp.f32 v8;
	v17 =	vpop (erf)  }
.Ltmp3:
0x317: {  	v3 =	vadd.f32 $1.000000000e+00, v60;
	(erf) = vrcp.f32 v11;
	v8 =	vpop (erf);
	v11 =	vsub.f32 v57, v61;
	(pc) =	sbr.rel @p0 .LBB2_8-.Ltmp3, $4  }
0x318: {  	(erf) = vrcp.f32 v16;
	v18 =	vpop (erf);
	v7 =	vsub.f32 v15, v7;
	v15 =	vmul.f32 v9, v45  }
0x319: {  	v8 =	vadd.f32 $1.000000000e+00, v8;
	v9 =	vsub.f32 v2, v20;
	(erf) = vrcp.f32 v13;
	v63 =	vpop (erf)  }
0x31a: {  	v13 =	vsub.f32 v22, v23;
	(erf) = vrcp.f32 v3;
	v16 =	vsub.f32 v55, v15;
	v19 =	vpop (erf)  }
0x31b: {  	s8 =	sadd.s32 $0x80, s8;
	[tilespmem:s2+$0x20] =	vst v7;
	s2 =	smov.u32 s0;
	v20 =	vadd.f32 $1.000000000e+00, v63;
	(erf) = vrcp.f32 v8;
	v15 =	vsub.f32 v58, v62;
	v21 =	vpop (erf)  }
0x31c: {  	v53 =	vld [tilespmem:$0x1FF90]  }
0x31d: {  	v0 =	vadd.f32 $1.000000000e+00, v21  }
0x31e: {  	v54 =	vld [tilespmem:$0x1FFA0];
	(erf) = vrcp.f32 v20  }
0x31f: {  	v1 =	vpop (erf);
	(erf) = vrcp.f32 v0  }
0x320: {  	v52 =	vpop (erf)  }
0x321: {  	v3 =	vpop (erf);
	v2 =	vmul.f32 v17, v53;
	v5 =	vmul.f32 v18, v53  }
0x322: {  	v7 =	vpop (erf);
	v6 =	vmul.f32 v19, v53;
	v1 =	vmul.f32 v1, v53  }
0x323: {  	v4 =	vsub.f32 v9, v12;
	v7 =	vmul.f32 v7, v54;
	v8 =	vpop (erf);
	v0 =	vmul.f32 v52, v53  }
0x324: {  	v3 =	vmul.f32 v3, v53;
	v8 =	vmul.f32 v8, v54;
	v55 =	vpop (erf);
	v2 =	vsub.f32 v14, v2  }
0x325: {  	v5 =	vsub.f32 v16, v5;
	v9 =	vmul.f32 v55, v54;
	v56 =	vpop (erf);
	v4 =	vsub.f32 v4, v7  }
0x326: {  	v6 =	vsub.f32 v10, v6;
	v57 =	vmul.f32 v56, v54;
	v58 =	vpop (erf);
	v2 =	vsub.f32 v2, v8  }
0x327: {  	v1 =	vsub.f32 v11, v1;
	v10 =	vmul.f32 v58, v54;
	[tilespmem:s0+$0xFFFFFFC0] =	vst v4;
	v60 =	vsub.f32 v5, v9;
	v59 =	vpop (erf)  }
0x328: {  	v0 =	vsub.f32 v15, v0;
	v62 =	vsub.f32 v6, v57;
	v61 =	vpop (erf);
	v8 =	vmul.f32 v59, v54;
	[tilespmem:s0+$0xFFFFFFD0] =	vst v2  }
0x329: {  	v3 =	vsub.f32 v13, v3;
	[tilespmem:s0+$0xFFFFFFE0] =	vst v60;
	v1 =	vsub.f32 v1, v10;
	v5 =	vmul.f32 v61, v54  }
0x32a: {  	[tilespmem:s0+$0xFFFFFFF0] =	vst v62;
	v0 =	vsub.f32 v0, v8  }
0x32b: {  	[tilespmem:s2+$0x0] =	vst v1;
	v63 =	vsub.f32 v3, v5  }
0x32c: {  	[tilespmem:s2+$0x10] =	vst v0  }
0x32d: {  	s28 =	sadd.s32 $0x1, s28;
	[tilespmem:s2+$0x20] =	vst v63  }
0x32e: {  	[hbm4b:s10+s13] =	stream.strided.scatter [tilespmem:s22], [sflag:$0x3], $0x1900, s14, s13, $0x38;
	[tilespmem:$0x1CF00] =	vst v63  }
0x32f: {  	p0 =	sne.s32 s28, s11;
	_ =	swait.ge [sflag:s26], $0x1900  }
.Ltmp4:
0x330: {  	[sflag:s26] =	ssyncset.done $0x0;
	(pc) =	sbr.rel @p0 .LBB2_1-.Ltmp4, $4  }
0x331: {  	[sflag:s26] =	ssyncadd.s32 $0xFFFFE700  }
0x332: {  	_ =	swait.ge [sflag:s25], $0x1900  }
0x333: {  	[sflag:s25] =	ssyncset.done $0x0  }
0x334: {  	[sflag:s25] =	ssyncadd.s32 $0xFFFFE700  }
0x335: {  	_ =	sfence.sel $0x180000  }
0x336: {  	[bflag:$0x0] =	sbarrier.arrive $0xFFFF  }
0x337: {  	_ =	strace $0x90000047  }
0x338: {  	s0 =	stileid.u32;
	[bflag:$0x2] =	sbarrier.arrive $0xFFFF  }
0x339: {  	p0 =	sne.s32 s0, $0x0;
	s0 =	rddreg [dreg:$0x2]  }
0x33a: {  	s0 =	sadd.s32 @!p0 $0x100000, s0  }
0x33b: {  	[sflag:s0] =	ssyncadd.tile.s32 @!p0 $0x1;
	_ =	shalt  }
.Lfunc_end2:
_tile_overlayer_lowered:
.L_overlay_start_2:
0x33c: {  	(tag) =	ssettag $0x2  }
0x33d: {  	s0 =	rddreg [dreg:$0x0];
	s2 =	stileid.u32  }
0x33e: {  	s1 =	rddreg [dreg:$0x1];
	p0 =	sne.s32 s2, $0x0  }
0x33f: {  	s3 =	rddreg [dreg:$0x2];
	[bflag:$0x3] =	sbarrier.arrive $0xFFFF;
	s2 =	simm.s32 @!p0 $0x1C05  }
0x340: {  	[timem:s3], [sflag:s2] =	dma.local @!p0 [hbm:s0], s1  }
0x341: {  	s0 =	simm.s32 @!p0 $0x5  }
0x342: {  	_ =	swait.ge @!p0 [sflag:s0], s1  }
0x343: {  	s1 =	ssub.s32 @!p0 $0x0, s1;
	[sflag:s0] =	ssyncset.done @!p0 $0x0  }
0x344: {  	[sflag:s0] =	ssyncadd.s32 @!p0 s1  }
0x345: {  	[bflag:$0x3] =	sbarrier.arrive $0xFFFF  }
0x346: {  	_ =	shalt  }

</sc_bundles>
